<compile_context>
chip_gen: v7x
topology: tpu7x:2x2x1
jax: 0.10.2.dev20260603
libtpu: 0.0.44.dev20260713+nightly
codegen_flags: <defaults>
</compile_context>

<pallas_src>
import jax
import jax.numpy as jnp
from jax import lax
from jax.experimental import pallas as pl
from jax.experimental.pallas import tpu as pltpu
from jax.experimental.pallas import tpu_sc as plsc

_VOCAB = 10000
_ACTIVE = 100
_DIM = 10
_L = 16
_NW = 32
_BATCH = 16384
_HIST = 200
_TW = _BATCH // _NW
_CW = 256
_NCH = (_HIST // 8) * (_TW // _CW)
_GR = 8 * (_CW // _L)


def _sc_body(idx_hbm, lookup_hbm, emb_hbm, out_hbm,
             lookup_v, emb_v, idx_v, out_v, sin0, sin1, sout0, sout1):
    wid = lax.axis_index("s") * 2 + lax.axis_index("c")
    b0 = wid * _TW
    sin = (sin0, sin1)
    sout = (sout0, sout1)

    pltpu.sync_copy(lookup_hbm, lookup_v)
    pltpu.sync_copy(emb_hbm, emb_v)

    def in_copy(c, s):
        th = c >> 1
        bc = b0 + (c & 1) * _CW
        return pltpu.make_async_copy(
            idx_hbm.at[pl.ds(th * 8, 8), pl.ds(bc, _CW)], idx_v.at[s], sin[s])

    def out_copy(c, s):
        th = c >> 1
        bc = b0 + (c & 1) * _CW
        return pltpu.make_async_copy(
            out_v.at[s], out_hbm.at[:, pl.ds(th * 8, 8), pl.ds(bc, _CW)],
            sout[s])

    in_copy(0, 0).start()

    def pair_body(i, carry):
        for s in range(2):
            c = 2 * i + s
            in_copy(c, s).wait()

            @pl.when(c + 1 < _NCH)
            def _():
                in_copy(c + 1, 1 - s).start()

            @pl.when(c >= 2)
            def _():
                out_copy(c - 2, s).wait()

            @plsc.parallel_loop(0, _GR, 1, unroll=8)
            def g_body(g):
                r = g >> 4
                off = pl.multiple_of((g & 15) * _L, _L)
                ids = idx_v[s, r, pl.ds(off, _L)]
                rem = plsc.load_gather(lookup_v, [ids])
                rem = jnp.minimum(jnp.maximum(rem, 0), _ACTIVE - 1)
                rem10 = rem * _DIM
                for d in range(_DIM):
                    vals = plsc.load_gather(emb_v, [rem10 + d])
                    out_v[s, d, r, pl.ds(off, _L)] = vals

            out_copy(c, s).start()
        return carry

    lax.fori_loop(0, _NCH // 2, pair_body, 0, unroll=False)
    out_copy(_NCH - 2, 0).wait()
    out_copy(_NCH - 1, 1).wait()


def kernel(input_indices, lookup, emb_weight):
    idx_t = input_indices.T
    emb_flat = emb_weight.reshape(-1)
    mesh = plsc.VectorSubcoreMesh(core_axis_name="c", subcore_axis_name="s")
    f = pl.kernel(
        _sc_body,
        out_type=jax.ShapeDtypeStruct((_DIM, _HIST, _BATCH), jnp.float32),
        mesh=mesh,
        compiler_params=pltpu.CompilerParams(needs_layout_passes=False,
                                             use_tc_tiling_on_sc=True),
        scratch_types=[
            pltpu.VMEM((_VOCAB,), jnp.int32),
            pltpu.VMEM((_ACTIVE * _DIM,), jnp.float32),
            pltpu.VMEM((2, 8, _CW), jnp.int32),
            pltpu.VMEM((2, _DIM, 8, _CW), jnp.float32),
            pltpu.SemaphoreType.DMA,
            pltpu.SemaphoreType.DMA,
            pltpu.SemaphoreType.DMA,
            pltpu.SemaphoreType.DMA,
        ],
    )
    out = f(idx_t, lookup, emb_flat)
    return out.transpose(2, 1, 0)

# --- scband reference (transcript-rebuilt; emitter-appended) ---
"""Pipeline reference for scband-my-model-61933428415877 (READ-ONLY COPY).

The authoritative reference and input builder live on the scoring server;
editing this copy changes nothing except your own understanding.
"""

import jax, jax.numpy as jnp
import numpy as np

VOCAB_SIZE = 10000
ACTIVE_SIZE = 100
EMBED_DIM = 10
BATCH = 16384
HIST = 200


def setup_inputs(seed: int = 0) -> dict:
    key = jax.random.key(seed)
    k_idx, k_emb = jax.random.split(key, 2)
    # Mimic torch.manual_seed(42); torch.randperm with a numpy permutation.
    rng = np.random.default_rng(42)
    active_vocab = rng.permutation(VOCAB_SIZE)[:ACTIVE_SIZE]
    lookup = np.full((VOCAB_SIZE,), ACTIVE_SIZE, dtype=np.int32)
    lookup[active_vocab] = np.arange(ACTIVE_SIZE, dtype=np.int32)
    input_indices = jax.random.randint(k_idx, (BATCH, HIST), 0, VOCAB_SIZE, dtype=jnp.int32)
    emb_weight = jax.random.normal(k_emb, (ACTIVE_SIZE, EMBED_DIM), dtype=jnp.float32)
    return {
        "input_indices": input_indices,
        "lookup": jnp.asarray(lookup),
        "emb_weight": emb_weight,
    }


def reference(input_indices, lookup, emb_weight):
    # active_indices = self.lookup[input_indices]
    active_indices = jnp.take(lookup, input_indices, axis=0)
    # self.embedding(active_indices); out-of-active indices (== ACTIVE_SIZE) clamp
    # under jax's default gather mode.
    out = jnp.take(emb_weight, active_indices, axis=0)
    return out

if __name__ == "__main__":
    import jax
    _d = setup_inputs()
    print(jax.jit(kernel)(*tuple(_d.values())))

</pallas_src>

<mosaic_0001>
#map = affine_map<(d0, d1) -> (0, 0)>
#map1 = affine_map<(d0, d1) -> (0)>
#map2 = affine_map<(d0, d1) -> (0, 0, 0)>
module attributes {stable_mosaic.version = 14 : i64} {
  func.func @_sc_body(%arg0: i32, %arg1: i32, %arg2: memref<200x16384xi32, #tpu.memory_space<hbm>>, %arg3: memref<10000xi32, #tpu.memory_space<hbm>>, %arg4: memref<1000xf32, #tpu.memory_space<hbm>>, %arg5: memref<10x200x16384xf32, #tpu.memory_space<hbm>>, %arg6: memref<10000xi32, #tpu.memory_space<vmem>>, %arg7: memref<1000xf32, #tpu.memory_space<vmem>>, %arg8: memref<2x8x256xi32, #tpu.memory_space<vmem>>, %arg9: memref<2x10x8x256xf32, #tpu.memory_space<vmem>>, %arg10: memref<!tpu.dma_semaphore, #tpu.memory_space<semaphore_mem>>, %arg11: memref<!tpu.dma_semaphore, #tpu.memory_space<semaphore_mem>>, %arg12: memref<!tpu.dma_semaphore, #tpu.memory_space<semaphore_mem>>, %arg13: memref<!tpu.dma_semaphore, #tpu.memory_space<semaphore_mem>>) attributes {dimension_semantics = [#tpu.dimension_semantics<core_parallel>, #tpu.dimension_semantics<subcore_parallel>], iteration_bounds = array<i64: 2, 16>, scalar_prefetch = 0 : i64, scratch_operands = 8 : i64, tpu.core_type = #tpu.core_type<sc_vector_subcore>, window_params = [{transform_indices = #map}, {transform_indices = #map1}, {transform_indices = #map1}, {transform_indices = #map2}]} {
    %mul3A = arith.constant 2 : i32
    %mul3A_0 = arith.muli %arg1, %mul3A : i32
    %add3A = arith.addi %mul3A_0, %arg0 : i32
    %mul3A_1 = arith.constant 512 : i32
    %mul3A_2 = arith.muli %add3A, %mul3A_1 : i32
    "tpu.region"() ({
      %run_scoped3A = tpu.sem_alloc : memref<!tpu.dma_semaphore, #tpu.memory_space<semaphore_mem>>
      tpu.enqueue_dma source(%arg3 : memref<10000xi32, #tpu.memory_space<hbm>>) target(%arg6 : memref<10000xi32, #tpu.memory_space<vmem>>) target_semaphore(%run_scoped3A : memref<!tpu.dma_semaphore, #tpu.memory_space<semaphore_mem>>)
      tpu.wait_dma2 semaphore(%run_scoped3A : memref<!tpu.dma_semaphore, #tpu.memory_space<semaphore_mem>>) src(%arg3 : memref<10000xi32, #tpu.memory_space<hbm>>) dst(%arg6 : memref<10000xi32, #tpu.memory_space<vmem>>)
      tpu.yield
    }) : () -> ()
    "tpu.region"() ({
      %run_scoped3A = tpu.sem_alloc : memref<!tpu.dma_semaphore, #tpu.memory_space<semaphore_mem>>
      tpu.enqueue_dma source(%arg4 : memref<1000xf32, #tpu.memory_space<hbm>>) target(%arg7 : memref<1000xf32, #tpu.memory_space<vmem>>) target_semaphore(%run_scoped3A : memref<!tpu.dma_semaphore, #tpu.memory_space<semaphore_mem>>)
      tpu.wait_dma2 semaphore(%run_scoped3A : memref<!tpu.dma_semaphore, #tpu.memory_space<semaphore_mem>>) src(%arg4 : memref<1000xf32, #tpu.memory_space<hbm>>) dst(%arg7 : memref<1000xf32, #tpu.memory_space<vmem>>)
      tpu.yield
    }) : () -> ()
    %add3A_3 = arith.constant 0 : i32
    %add3A_4 = arith.addi %mul3A_2, %add3A_3 : i32
    %dma_start3A = arith.constant 0 : i32
    %dma_start3A_5 = arith.constant 0 : i32
    %dma_start3A_6 = arith.constant 0 : i32
    %dma_start3A_7 = tpu.memref_slice %arg8[%dma_start3A, %dma_start3A_5, %dma_start3A_6] : memref<2x8x256xi32, #tpu.memory_space<vmem>> -> memref<1x8x256xi32, #tpu.memory_space<vmem>>
    %dma_start3A_8 = tpu.memref_squeeze %dma_start3A_7 : memref<1x8x256xi32, #tpu.memory_space<vmem>> -> memref<8x256xi32, #tpu.memory_space<vmem>>
    %dma_start3A_9 = arith.constant 0 : i32
    %dma_start3A_10 = tpu.memref_slice %arg2[%dma_start3A_9, %add3A_4] : memref<200x16384xi32, #tpu.memory_space<hbm>> -> memref<8x256xi32, #tpu.memory_space<hbm>>
    %dma_start3A_11 = arith.constant 0 : i32
    %dma_start3A_12 = arith.constant 0 : i32
    %dma_start3A_13 = tpu.memref_slice %arg8[%dma_start3A, %dma_start3A_11, %dma_start3A_12] : memref<2x8x256xi32, #tpu.memory_space<vmem>> -> memref<1x8x256xi32, #tpu.memory_space<vmem>>
    %dma_start3A_14 = tpu.memref_squeeze %dma_start3A_13 : memref<1x8x256xi32, #tpu.memory_space<vmem>> -> memref<8x256xi32, #tpu.memory_space<vmem>>
    %dma_start3A_15 = arith.constant 0 : i32
    %dma_start3A_16 = tpu.memref_slice %arg2[%dma_start3A_15, %add3A_4] : memref<200x16384xi32, #tpu.memory_space<hbm>> -> memref<8x256xi32, #tpu.memory_space<hbm>>
    tpu.enqueue_dma source(%dma_start3A_16 : memref<8x256xi32, #tpu.memory_space<hbm>>) target(%dma_start3A_14 : memref<8x256xi32, #tpu.memory_space<vmem>>) target_semaphore(%arg10 : memref<!tpu.dma_semaphore, #tpu.memory_space<semaphore_mem>>)
    %scan3A = arith.constant 0 : i32
    %scan3A_17 = arith.constant 0 : i32
    %scan3A_18 = arith.constant 25 : i32
    %scan3A_19 = arith.addi %scan3A_17, %scan3A_18 : i32
    %scan3A_20 = arith.constant 1 : i32
    scf.for %scan3A_59 = %scan3A_17 to %scan3A_19 step %scan3A_20  : i32 {
      %mul3A_60 = arith.constant 2 : i32
      %mul3A_61 = arith.muli %mul3A_60, %scan3A_59 : i32
      %add3A_62 = arith.constant 0 : i32
      %add3A_63 = arith.addi %mul3A_61, %add3A_62 : i32
      %shift_right_arithmetic3A = arith.constant 1 : i32
      %shift_right_arithmetic3A_64 = arith.shrsi %add3A_63, %shift_right_arithmetic3A : i32
      %and3A = arith.constant 1 : i32
      %and3A_65 = arith.andi %add3A_63, %and3A : i32
      %mul3A_66 = arith.constant 256 : i32
      %mul3A_67 = arith.muli %and3A_65, %mul3A_66 : i32
      %add3A_68 = arith.addi %mul3A_2, %mul3A_67 : i32
      %mul3A_69 = arith.constant 8 : i32
      %mul3A_70 = arith.muli %shift_right_arithmetic3A_64, %mul3A_69 : i32
      %dma_wait3A_71 = arith.constant 0 : i32
      %dma_wait3A_72 = arith.constant 0 : i32
      %dma_wait3A_73 = arith.constant 0 : i32
      %dma_wait3A_74 = tpu.memref_slice %arg8[%dma_wait3A_71, %dma_wait3A_72, %dma_wait3A_73] : memref<2x8x256xi32, #tpu.memory_space<vmem>> -> memref<1x8x256xi32, #tpu.memory_space<vmem>>
      %dma_wait3A_75 = tpu.memref_squeeze %dma_wait3A_74 : memref<1x8x256xi32, #tpu.memory_space<vmem>> -> memref<8x256xi32, #tpu.memory_space<vmem>>
      %dma_wait3A_76 = tpu.memref_slice %arg2[%mul3A_70, %add3A_68] : memref<200x16384xi32, #tpu.memory_space<hbm>> -> memref<8x256xi32, #tpu.memory_space<hbm>>
      %dma_wait3A_77 = arith.constant 0 : i32
      %dma_wait3A_78 = arith.constant 0 : i32
      %dma_wait3A_79 = tpu.memref_slice %arg8[%dma_wait3A_71, %dma_wait3A_77, %dma_wait3A_78] : memref<2x8x256xi32, #tpu.memory_space<vmem>> -> memref<1x8x256xi32, #tpu.memory_space<vmem>>
      %dma_wait3A_80 = tpu.memref_squeeze %dma_wait3A_79 : memref<1x8x256xi32, #tpu.memory_space<vmem>> -> memref<8x256xi32, #tpu.memory_space<vmem>>
      %dma_wait3A_81 = tpu.memref_slice %arg2[%mul3A_70, %add3A_68] : memref<200x16384xi32, #tpu.memory_space<hbm>> -> memref<8x256xi32, #tpu.memory_space<hbm>>
      tpu.wait_dma2 semaphore(%arg10 : memref<!tpu.dma_semaphore, #tpu.memory_space<semaphore_mem>>) src(%dma_wait3A_81 : memref<8x256xi32, #tpu.memory_space<hbm>>) dst(%dma_wait3A_80 : memref<8x256xi32, #tpu.memory_space<vmem>>)
      %add3A_82 = arith.constant 1 : i32
      %add3A_83 = arith.addi %add3A_63, %add3A_82 : i32
      %lt3A = arith.constant 50 : i32
      %lt3A_84 = arith.cmpi slt, %add3A_83, %lt3A : i32
      %convert_element_type3A = arith.extui %lt3A_84 : i1 to i32
      %cond3A = arith.constant 0 : i32
      %cond3A_85 = arith.cmpi ne, %convert_element_type3A, %cond3A : i32
      scf.if %cond3A_85 {
        %add3A_179 = arith.constant 1 : i32
        %add3A_180 = arith.addi %add3A_63, %add3A_179 : i32
        %shift_right_arithmetic3A_181 = arith.constant 1 : i32
        %shift_right_arithmetic3A_182 = arith.shrsi %add3A_180, %shift_right_arithmetic3A_181 : i32
        %and3A_183 = arith.constant 1 : i32
        %and3A_184 = arith.andi %add3A_180, %and3A_183 : i32
        %mul3A_185 = arith.constant 256 : i32
        %mul3A_186 = arith.muli %and3A_184, %mul3A_185 : i32
        %add3A_187 = arith.addi %mul3A_2, %mul3A_186 : i32
        %mul3A_188 = arith.constant 8 : i32
        %mul3A_189 = arith.muli %shift_right_arithmetic3A_182, %mul3A_188 : i32
        %dma_start3A_190 = arith.constant 1 : i32
        %dma_start3A_191 = arith.constant 0 : i32
        %dma_start3A_192 = arith.constant 0 : i32
        %dma_start3A_193 = tpu.memref_slice %arg8[%dma_start3A_190, %dma_start3A_191, %dma_start3A_192] : memref<2x8x256xi32, #tpu.memory_space<vmem>> -> memref<1x8x256xi32, #tpu.memory_space<vmem>>
        %dma_start3A_194 = tpu.memref_squeeze %dma_start3A_193 : memref<1x8x256xi32, #tpu.memory_space<vmem>> -> memref<8x256xi32, #tpu.memory_space<vmem>>
        %dma_start3A_195 = tpu.memref_slice %arg2[%mul3A_189, %add3A_187] : memref<200x16384xi32, #tpu.memory_space<hbm>> -> memref<8x256xi32, #tpu.memory_space<hbm>>
        %dma_start3A_196 = arith.constant 0 : i32
        %dma_start3A_197 = arith.constant 0 : i32
        %dma_start3A_198 = tpu.memref_slice %arg8[%dma_start3A_190, %dma_start3A_196, %dma_start3A_197] : memref<2x8x256xi32, #tpu.memory_space<vmem>> -> memref<1x8x256xi32, #tpu.memory_space<vmem>>
        %dma_start3A_199 = tpu.memref_squeeze %dma_start3A_198 : memref<1x8x256xi32, #tpu.memory_space<vmem>> -> memref<8x256xi32, #tpu.memory_space<vmem>>
        %dma_start3A_200 = tpu.memref_slice %arg2[%mul3A_189, %add3A_187] : memref<200x16384xi32, #tpu.memory_space<hbm>> -> memref<8x256xi32, #tpu.memory_space<hbm>>
        tpu.enqueue_dma source(%dma_start3A_200 : memref<8x256xi32, #tpu.memory_space<hbm>>) target(%dma_start3A_199 : memref<8x256xi32, #tpu.memory_space<vmem>>) target_semaphore(%arg11 : memref<!tpu.dma_semaphore, #tpu.memory_space<semaphore_mem>>)
      } else {
      }
      %ge3A = arith.constant 2 : i32
      %ge3A_86 = arith.cmpi sge, %add3A_63, %ge3A : i32
      %convert_element_type3A_87 = arith.extui %ge3A_86 : i1 to i32
      %cond3A_88 = arith.constant 0 : i32
      %cond3A_89 = arith.cmpi ne, %convert_element_type3A_87, %cond3A_88 : i32
      scf.if %cond3A_89 {
        %sub3A = arith.constant 2 : i32
        %sub3A_179 = arith.subi %add3A_63, %sub3A : i32
        %shift_right_arithmetic3A_180 = arith.constant 1 : i32
        %shift_right_arithmetic3A_181 = arith.shrsi %sub3A_179, %shift_right_arithmetic3A_180 : i32
        %and3A_182 = arith.constant 1 : i32
        %and3A_183 = arith.andi %sub3A_179, %and3A_182 : i32
        %mul3A_184 = arith.constant 256 : i32
        %mul3A_185 = arith.muli %and3A_183, %mul3A_184 : i32
        %add3A_186 = arith.addi %mul3A_2, %mul3A_185 : i32
        %mul3A_187 = arith.constant 8 : i32
        %mul3A_188 = arith.muli %shift_right_arithmetic3A_181, %mul3A_187 : i32
        %dma_wait3A_189 = arith.constant 0 : i32
        %dma_wait3A_190 = arith.constant 0 : i32
        %dma_wait3A_191 = arith.constant 0 : i32
        %dma_wait3A_192 = arith.constant 0 : i32
        %dma_wait3A_193 = tpu.memref_slice %arg9[%dma_wait3A_189, %dma_wait3A_190, %dma_wait3A_191, %dma_wait3A_192] : memref<2x10x8x256xf32, #tpu.memory_space<vmem>> -> memref<1x10x8x256xf32, #tpu.memory_space<vmem>>
        %dma_wait3A_194 = tpu.memref_squeeze %dma_wait3A_193 : memref<1x10x8x256xf32, #tpu.memory_space<vmem>> -> memref<10x8x256xf32, #tpu.memory_space<vmem>>
        %dma_wait3A_195 = arith.constant 0 : i32
        %dma_wait3A_196 = tpu.memref_slice %arg5[%dma_wait3A_195, %mul3A_188, %add3A_186] : memref<10x200x16384xf32, #tpu.memory_space<hbm>> -> memref<10x8x256xf32, #tpu.memory_space<hbm>>
        %dma_wait3A_197 = arith.constant 0 : i32
        %dma_wait3A_198 = tpu.memref_slice %arg5[%dma_wait3A_197, %mul3A_188, %add3A_186] : memref<10x200x16384xf32, #tpu.memory_space<hbm>> -> memref<10x8x256xf32, #tpu.memory_space<hbm>>
        %dma_wait3A_199 = arith.constant 0 : i32
        %dma_wait3A_200 = arith.constant 0 : i32
        %dma_wait3A_201 = arith.constant 0 : i32
        %dma_wait3A_202 = tpu.memref_slice %arg9[%dma_wait3A_189, %dma_wait3A_199, %dma_wait3A_200, %dma_wait3A_201] : memref<2x10x8x256xf32, #tpu.memory_space<vmem>> -> memref<1x10x8x256xf32, #tpu.memory_space<vmem>>
        %dma_wait3A_203 = tpu.memref_squeeze %dma_wait3A_202 : memref<1x10x8x256xf32, #tpu.memory_space<vmem>> -> memref<10x8x256xf32, #tpu.memory_space<vmem>>
        tpu.wait_dma2 semaphore(%arg12 : memref<!tpu.dma_semaphore, #tpu.memory_space<semaphore_mem>>) src(%dma_wait3A_203 : memref<10x8x256xf32, #tpu.memory_space<vmem>>) dst(%dma_wait3A_198 : memref<10x8x256xf32, #tpu.memory_space<hbm>>)
      } else {
      }
      %parallel_loop3A = arith.constant 0 : i32
      %parallel_loop3A_90 = arith.constant 128 : i32
      %parallel_loop3A_91 = arith.constant 1 : i32
      scf.for %parallel_loop3A_179 = %parallel_loop3A to %parallel_loop3A_90 step %parallel_loop3A_91  : i32 {
        %parallel_loop3A_180 = arith.constant 4 : i32
        %parallel_loop3A_181 = arith.shrsi %parallel_loop3A_179, %parallel_loop3A_180 : i32
        %parallel_loop3A_182 = arith.constant 15 : i32
        %parallel_loop3A_183 = arith.andi %parallel_loop3A_179, %parallel_loop3A_182 : i32
        %parallel_loop3A_184 = arith.constant 16 : i32
        %parallel_loop3A_185 = arith.muli %parallel_loop3A_183, %parallel_loop3A_184 : i32
        %parallel_loop3A_186 = tpu.assume_multiple %parallel_loop3A_185, 16 : i32
        %parallel_loop3A_187 = arith.constant 0 : i32
        %parallel_loop3A_188 = arith.index_cast %parallel_loop3A_187 : i32 to index
        %parallel_loop3A_189 = arith.index_cast %parallel_loop3A_181 : i32 to index
        %parallel_loop3A_190 = arith.index_cast %parallel_loop3A_186 : i32 to index
        %parallel_loop3A_191 = tpu.vector_load %arg8[%parallel_loop3A_188, %parallel_loop3A_189, %parallel_loop3A_190] {strides = array<i32>} : memref<2x8x256xi32, #tpu.memory_space<vmem>>, vector<16xi32>,
        %parallel_loop3A_192 = tpu.vector_load_idx %arg6[%parallel_loop3A_191] : memref<10000xi32, #tpu.memory_space<vmem>>[vector<16xi32>], vector<16xi32>,
        %parallel_loop3A_193 = arith.constant 0 : i32
        %parallel_loop3A_194 = vector.broadcast %parallel_loop3A_193 : i32 to vector<16xi32>
        %parallel_loop3A_195 = arith.maxsi %parallel_loop3A_192, %parallel_loop3A_194 : vector<16xi32>
        %parallel_loop3A_196 = arith.constant 99 : i32
        %parallel_loop3A_197 = vector.broadcast %parallel_loop3A_196 : i32 to vector<16xi32>
        %parallel_loop3A_198 = arith.minsi %parallel_loop3A_195, %parallel_loop3A_197 : vector<16xi32>
        %parallel_loop3A_199 = arith.constant 10 : i32
        %parallel_loop3A_200 = vector.broadcast %parallel_loop3A_199 : i32 to vector<16xi32>
        %parallel_loop3A_201 = arith.muli %parallel_loop3A_198, %parallel_loop3A_200 : vector<16xi32>
        %parallel_loop3A_202 = arith.constant 0 : i32
        %parallel_loop3A_203 = vector.broadcast %parallel_loop3A_202 : i32 to vector<16xi32>
        %parallel_loop3A_204 = arith.addi %parallel_loop3A_201, %parallel_loop3A_203 : vector<16xi32>
        %parallel_loop3A_205 = tpu.vector_load_idx %arg7[%parallel_loop3A_204] : memref<1000xf32, #tpu.memory_space<vmem>>[vector<16xi32>], vector<16xf32>,
        %parallel_loop3A_206 = arith.constant 0 : i32
        %parallel_loop3A_207 = arith.constant 0 : i32
        %parallel_loop3A_208 = arith.index_cast %parallel_loop3A_206 : i32 to index
        %parallel_loop3A_209 = arith.index_cast %parallel_loop3A_207 : i32 to index
        %parallel_loop3A_210 = arith.index_cast %parallel_loop3A_181 : i32 to index
        %parallel_loop3A_211 = arith.index_cast %parallel_loop3A_186 : i32 to index
        %parallel_loop3A_212 = tpu.vector_load %arg9[%parallel_loop3A_208, %parallel_loop3A_209, %parallel_loop3A_210, %parallel_loop3A_211] {strides = array<i32>} : memref<2x10x8x256xf32, #tpu.memory_space<vmem>>, vector<16xf32>,
        tpu.vector_store %arg9[%parallel_loop3A_208, %parallel_loop3A_209, %parallel_loop3A_210, %parallel_loop3A_211], %parallel_loop3A_205 {strides = array<i32>} : memref<2x10x8x256xf32, #tpu.memory_space<vmem>>, vector<16xf32>,
        %parallel_loop3A_213 = arith.constant 1 : i32
        %parallel_loop3A_214 = vector.broadcast %parallel_loop3A_213 : i32 to vector<16xi32>
        %parallel_loop3A_215 = arith.addi %parallel_loop3A_201, %parallel_loop3A_214 : vector<16xi32>
        %parallel_loop3A_216 = tpu.vector_load_idx %arg7[%parallel_loop3A_215] : memref<1000xf32, #tpu.memory_space<vmem>>[vector<16xi32>], vector<16xf32>,
        %parallel_loop3A_217 = arith.constant 0 : i32
        %parallel_loop3A_218 = arith.constant 1 : i32
        %parallel_loop3A_219 = arith.index_cast %parallel_loop3A_217 : i32 to index
        %parallel_loop3A_220 = arith.index_cast %parallel_loop3A_218 : i32 to index
        %parallel_loop3A_221 = arith.index_cast %parallel_loop3A_181 : i32 to index
        %parallel_loop3A_222 = arith.index_cast %parallel_loop3A_186 : i32 to index
        %parallel_loop3A_223 = tpu.vector_load %arg9[%parallel_loop3A_219, %parallel_loop3A_220, %parallel_loop3A_221, %parallel_loop3A_222] {strides = array<i32>} : memref<2x10x8x256xf32, #tpu.memory_space<vmem>>, vector<16xf32>,
        tpu.vector_store %arg9[%parallel_loop3A_219, %parallel_loop3A_220, %parallel_loop3A_221, %parallel_loop3A_222], %parallel_loop3A_216 {strides = array<i32>} : memref<2x10x8x256xf32, #tpu.memory_space<vmem>>, vector<16xf32>,
        %parallel_loop3A_224 = arith.constant 2 : i32
        %parallel_loop3A_225 = vector.broadcast %parallel_loop3A_224 : i32 to vector<16xi32>
        %parallel_loop3A_226 = arith.addi %parallel_loop3A_201, %parallel_loop3A_225 : vector<16xi32>
        %parallel_loop3A_227 = tpu.vector_load_idx %arg7[%parallel_loop3A_226] : memref<1000xf32, #tpu.memory_space<vmem>>[vector<16xi32>], vector<16xf32>,
        %parallel_loop3A_228 = arith.constant 0 : i32
        %parallel_loop3A_229 = arith.constant 2 : i32
        %parallel_loop3A_230 = arith.index_cast %parallel_loop3A_228 : i32 to index
        %parallel_loop3A_231 = arith.index_cast %parallel_loop3A_229 : i32 to index
        %parallel_loop3A_232 = arith.index_cast %parallel_loop3A_181 : i32 to index
        %parallel_loop3A_233 = arith.index_cast %parallel_loop3A_186 : i32 to index
        %parallel_loop3A_234 = tpu.vector_load %arg9[%parallel_loop3A_230, %parallel_loop3A_231, %parallel_loop3A_232, %parallel_loop3A_233] {strides = array<i32>} : memref<2x10x8x256xf32, #tpu.memory_space<vmem>>, vector<16xf32>,
        tpu.vector_store %arg9[%parallel_loop3A_230, %parallel_loop3A_231, %parallel_loop3A_232, %parallel_loop3A_233], %parallel_loop3A_227 {strides = array<i32>} : memref<2x10x8x256xf32, #tpu.memory_space<vmem>>, vector<16xf32>,
        %parallel_loop3A_235 = arith.constant 3 : i32
        %parallel_loop3A_236 = vector.broadcast %parallel_loop3A_235 : i32 to vector<16xi32>
        %parallel_loop3A_237 = arith.addi %parallel_loop3A_201, %parallel_loop3A_236 : vector<16xi32>
        %parallel_loop3A_238 = tpu.vector_load_idx %arg7[%parallel_loop3A_237] : memref<1000xf32, #tpu.memory_space<vmem>>[vector<16xi32>], vector<16xf32>,
        %parallel_loop3A_239 = arith.constant 0 : i32
        %parallel_loop3A_240 = arith.constant 3 : i32
        %parallel_loop3A_241 = arith.index_cast %parallel_loop3A_239 : i32 to index
        %parallel_loop3A_242 = arith.index_cast %parallel_loop3A_240 : i32 to index
        %parallel_loop3A_243 = arith.index_cast %parallel_loop3A_181 : i32 to index
        %parallel_loop3A_244 = arith.index_cast %parallel_loop3A_186 : i32 to index
        %parallel_loop3A_245 = tpu.vector_load %arg9[%parallel_loop3A_241, %parallel_loop3A_242, %parallel_loop3A_243, %parallel_loop3A_244] {strides = array<i32>} : memref<2x10x8x256xf32, #tpu.memory_space<vmem>>, vector<16xf32>,
        tpu.vector_store %arg9[%parallel_loop3A_241, %parallel_loop3A_242, %parallel_loop3A_243, %parallel_loop3A_244], %parallel_loop3A_238 {strides = array<i32>} : memref<2x10x8x256xf32, #tpu.memory_space<vmem>>, vector<16xf32>,
        %parallel_loop3A_246 = arith.constant 4 : i32
        %parallel_loop3A_247 = vector.broadcast %parallel_loop3A_246 : i32 to vector<16xi32>
        %parallel_loop3A_248 = arith.addi %parallel_loop3A_201, %parallel_loop3A_247 : vector<16xi32>
        %parallel_loop3A_249 = tpu.vector_load_idx %arg7[%parallel_loop3A_248] : memref<1000xf32, #tpu.memory_space<vmem>>[vector<16xi32>], vector<16xf32>,
        %parallel_loop3A_250 = arith.constant 0 : i32
        %parallel_loop3A_251 = arith.constant 4 : i32
        %parallel_loop3A_252 = arith.index_cast %parallel_loop3A_250 : i32 to index
        %parallel_loop3A_253 = arith.index_cast %parallel_loop3A_251 : i32 to index
        %parallel_loop3A_254 = arith.index_cast %parallel_loop3A_181 : i32 to index
        %parallel_loop3A_255 = arith.index_cast %parallel_loop3A_186 : i32 to index
        %parallel_loop3A_256 = tpu.vector_load %arg9[%parallel_loop3A_252, %parallel_loop3A_253, %parallel_loop3A_254, %parallel_loop3A_255] {strides = array<i32>} : memref<2x10x8x256xf32, #tpu.memory_space<vmem>>, vector<16xf32>,
        tpu.vector_store %arg9[%parallel_loop3A_252, %parallel_loop3A_253, %parallel_loop3A_254, %parallel_loop3A_255], %parallel_loop3A_249 {strides = array<i32>} : memref<2x10x8x256xf32, #tpu.memory_space<vmem>>, vector<16xf32>,
        %parallel_loop3A_257 = arith.constant 5 : i32
        %parallel_loop3A_258 = vector.broadcast %parallel_loop3A_257 : i32 to vector<16xi32>
        %parallel_loop3A_259 = arith.addi %parallel_loop3A_201, %parallel_loop3A_258 : vector<16xi32>
        %parallel_loop3A_260 = tpu.vector_load_idx %arg7[%parallel_loop3A_259] : memref<1000xf32, #tpu.memory_space<vmem>>[vector<16xi32>], vector<16xf32>,
        %parallel_loop3A_261 = arith.constant 0 : i32
        %parallel_loop3A_262 = arith.constant 5 : i32
        %parallel_loop3A_263 = arith.index_cast %parallel_loop3A_261 : i32 to index
        %parallel_loop3A_264 = arith.index_cast %parallel_loop3A_262 : i32 to index
        %parallel_loop3A_265 = arith.index_cast %parallel_loop3A_181 : i32 to index
        %parallel_loop3A_266 = arith.index_cast %parallel_loop3A_186 : i32 to index
        %parallel_loop3A_267 = tpu.vector_load %arg9[%parallel_loop3A_263, %parallel_loop3A_264, %parallel_loop3A_265, %parallel_loop3A_266] {strides = array<i32>} : memref<2x10x8x256xf32, #tpu.memory_space<vmem>>, vector<16xf32>,
        tpu.vector_store %arg9[%parallel_loop3A_263, %parallel_loop3A_264, %parallel_loop3A_265, %parallel_loop3A_266], %parallel_loop3A_260 {strides = array<i32>} : memref<2x10x8x256xf32, #tpu.memory_space<vmem>>, vector<16xf32>,
        %parallel_loop3A_268 = arith.constant 6 : i32
        %parallel_loop3A_269 = vector.broadcast %parallel_loop3A_268 : i32 to vector<16xi32>
        %parallel_loop3A_270 = arith.addi %parallel_loop3A_201, %parallel_loop3A_269 : vector<16xi32>
        %parallel_loop3A_271 = tpu.vector_load_idx %arg7[%parallel_loop3A_270] : memref<1000xf32, #tpu.memory_space<vmem>>[vector<16xi32>], vector<16xf32>,
        %parallel_loop3A_272 = arith.constant 0 : i32
        %parallel_loop3A_273 = arith.constant 6 : i32
        %parallel_loop3A_274 = arith.index_cast %parallel_loop3A_272 : i32 to index
        %parallel_loop3A_275 = arith.index_cast %parallel_loop3A_273 : i32 to index
        %parallel_loop3A_276 = arith.index_cast %parallel_loop3A_181 : i32 to index
        %parallel_loop3A_277 = arith.index_cast %parallel_loop3A_186 : i32 to index
        %parallel_loop3A_278 = tpu.vector_load %arg9[%parallel_loop3A_274, %parallel_loop3A_275, %parallel_loop3A_276, %parallel_loop3A_277] {strides = array<i32>} : memref<2x10x8x256xf32, #tpu.memory_space<vmem>>, vector<16xf32>,
        tpu.vector_store %arg9[%parallel_loop3A_274, %parallel_loop3A_275, %parallel_loop3A_276, %parallel_loop3A_277], %parallel_loop3A_271 {strides = array<i32>} : memref<2x10x8x256xf32, #tpu.memory_space<vmem>>, vector<16xf32>,
        %parallel_loop3A_279 = arith.constant 7 : i32
        %parallel_loop3A_280 = vector.broadcast %parallel_loop3A_279 : i32 to vector<16xi32>
        %parallel_loop3A_281 = arith.addi %parallel_loop3A_201, %parallel_loop3A_280 : vector<16xi32>
        %parallel_loop3A_282 = tpu.vector_load_idx %arg7[%parallel_loop3A_281] : memref<1000xf32, #tpu.memory_space<vmem>>[vector<16xi32>], vector<16xf32>,
        %parallel_loop3A_283 = arith.constant 0 : i32
        %parallel_loop3A_284 = arith.constant 7 : i32
        %parallel_loop3A_285 = arith.index_cast %parallel_loop3A_283 : i32 to index
        %parallel_loop3A_286 = arith.index_cast %parallel_loop3A_284 : i32 to index
        %parallel_loop3A_287 = arith.index_cast %parallel_loop3A_181 : i32 to index
        %parallel_loop3A_288 = arith.index_cast %parallel_loop3A_186 : i32 to index
        %parallel_loop3A_289 = tpu.vector_load %arg9[%parallel_loop3A_285, %parallel_loop3A_286, %parallel_loop3A_287, %parallel_loop3A_288] {strides = array<i32>} : memref<2x10x8x256xf32, #tpu.memory_space<vmem>>, vector<16xf32>,
        tpu.vector_store %arg9[%parallel_loop3A_285, %parallel_loop3A_286, %parallel_loop3A_287, %parallel_loop3A_288], %parallel_loop3A_282 {strides = array<i32>} : memref<2x10x8x256xf32, #tpu.memory_space<vmem>>, vector<16xf32>,
        %parallel_loop3A_290 = arith.constant 8 : i32
        %parallel_loop3A_291 = vector.broadcast %parallel_loop3A_290 : i32 to vector<16xi32>
        %parallel_loop3A_292 = arith.addi %parallel_loop3A_201, %parallel_loop3A_291 : vector<16xi32>
        %parallel_loop3A_293 = tpu.vector_load_idx %arg7[%parallel_loop3A_292] : memref<1000xf32, #tpu.memory_space<vmem>>[vector<16xi32>], vector<16xf32>,
        %parallel_loop3A_294 = arith.constant 0 : i32
        %parallel_loop3A_295 = arith.constant 8 : i32
        %parallel_loop3A_296 = arith.index_cast %parallel_loop3A_294 : i32 to index
        %parallel_loop3A_297 = arith.index_cast %parallel_loop3A_295 : i32 to index
        %parallel_loop3A_298 = arith.index_cast %parallel_loop3A_181 : i32 to index
        %parallel_loop3A_299 = arith.index_cast %parallel_loop3A_186 : i32 to index
        %parallel_loop3A_300 = tpu.vector_load %arg9[%parallel_loop3A_296, %parallel_loop3A_297, %parallel_loop3A_298, %parallel_loop3A_299] {strides = array<i32>} : memref<2x10x8x256xf32, #tpu.memory_space<vmem>>, vector<16xf32>,
        tpu.vector_store %arg9[%parallel_loop3A_296, %parallel_loop3A_297, %parallel_loop3A_298, %parallel_loop3A_299], %parallel_loop3A_293 {strides = array<i32>} : memref<2x10x8x256xf32, #tpu.memory_space<vmem>>, vector<16xf32>,
        %parallel_loop3A_301 = arith.constant 9 : i32
        %parallel_loop3A_302 = vector.broadcast %parallel_loop3A_301 : i32 to vector<16xi32>
        %parallel_loop3A_303 = arith.addi %parallel_loop3A_201, %parallel_loop3A_302 : vector<16xi32>
        %parallel_loop3A_304 = tpu.vector_load_idx %arg7[%parallel_loop3A_303] : memref<1000xf32, #tpu.memory_space<vmem>>[vector<16xi32>], vector<16xf32>,
        %parallel_loop3A_305 = arith.constant 0 : i32
        %parallel_loop3A_306 = arith.constant 9 : i32
        %parallel_loop3A_307 = arith.index_cast %parallel_loop3A_305 : i32 to index
        %parallel_loop3A_308 = arith.index_cast %parallel_loop3A_306 : i32 to index
        %parallel_loop3A_309 = arith.index_cast %parallel_loop3A_181 : i32 to index
        %parallel_loop3A_310 = arith.index_cast %parallel_loop3A_186 : i32 to index
        %parallel_loop3A_311 = tpu.vector_load %arg9[%parallel_loop3A_307, %parallel_loop3A_308, %parallel_loop3A_309, %parallel_loop3A_310] {strides = array<i32>} : memref<2x10x8x256xf32, #tpu.memory_space<vmem>>, vector<16xf32>,
        tpu.vector_store %arg9[%parallel_loop3A_307, %parallel_loop3A_308, %parallel_loop3A_309, %parallel_loop3A_310], %parallel_loop3A_304 {strides = array<i32>} : memref<2x10x8x256xf32, #tpu.memory_space<vmem>>, vector<16xf32>,
      } {sc.loop_unroll_factor = 8 : i64, sc.parallel_access}
      %shift_right_arithmetic3A_92 = arith.constant 1 : i32
      %shift_right_arithmetic3A_93 = arith.shrsi %add3A_63, %shift_right_arithmetic3A_92 : i32
      %and3A_94 = arith.constant 1 : i32
      %and3A_95 = arith.andi %add3A_63, %and3A_94 : i32
      %mul3A_96 = arith.constant 256 : i32
      %mul3A_97 = arith.muli %and3A_95, %mul3A_96 : i32
      %add3A_98 = arith.addi %mul3A_2, %mul3A_97 : i32
      %mul3A_99 = arith.constant 8 : i32
      %mul3A_100 = arith.muli %shift_right_arithmetic3A_93, %mul3A_99 : i32
      %dma_start3A_101 = arith.constant 0 : i32
      %dma_start3A_102 = arith.constant 0 : i32
      %dma_start3A_103 = arith.constant 0 : i32
      %dma_start3A_104 = arith.constant 0 : i32
      %dma_start3A_105 = tpu.memref_slice %arg9[%dma_start3A_101, %dma_start3A_102, %dma_start3A_103, %dma_start3A_104] : memref<2x10x8x256xf32, #tpu.memory_space<vmem>> -> memref<1x10x8x256xf32, #tpu.memory_space<vmem>>
      %dma_start3A_106 = tpu.memref_squeeze %dma_start3A_105 : memref<1x10x8x256xf32, #tpu.memory_space<vmem>> -> memref<10x8x256xf32, #tpu.memory_space<vmem>>
      %dma_start3A_107 = arith.constant 0 : i32
      %dma_start3A_108 = tpu.memref_slice %arg5[%dma_start3A_107, %mul3A_100, %add3A_98] : memref<10x200x16384xf32, #tpu.memory_space<hbm>> -> memref<10x8x256xf32, #tpu.memory_space<hbm>>
      %dma_start3A_109 = arith.constant 0 : i32
      %dma_start3A_110 = tpu.memref_slice %arg5[%dma_start3A_109, %mul3A_100, %add3A_98] : memref<10x200x16384xf32, #tpu.memory_space<hbm>> -> memref<10x8x256xf32, #tpu.memory_space<hbm>>
      %dma_start3A_111 = arith.constant 0 : i32
      %dma_start3A_112 = arith.constant 0 : i32
      %dma_start3A_113 = arith.constant 0 : i32
      %dma_start3A_114 = tpu.memref_slice %arg9[%dma_start3A_101, %dma_start3A_111, %dma_start3A_112, %dma_start3A_113] : memref<2x10x8x256xf32, #tpu.memory_space<vmem>> -> memref<1x10x8x256xf32, #tpu.memory_space<vmem>>
      %dma_start3A_115 = tpu.memref_squeeze %dma_start3A_114 : memref<1x10x8x256xf32, #tpu.memory_space<vmem>> -> memref<10x8x256xf32, #tpu.memory_space<vmem>>
      tpu.enqueue_dma source(%dma_start3A_115 : memref<10x8x256xf32, #tpu.memory_space<vmem>>) target(%dma_start3A_110 : memref<10x8x256xf32, #tpu.memory_space<hbm>>) target_semaphore(%arg12 : memref<!tpu.dma_semaphore, #tpu.memory_space<semaphore_mem>>)
      %mul3A_116 = arith.constant 2 : i32
      %mul3A_117 = arith.muli %mul3A_116, %scan3A_59 : i32
      %add3A_118 = arith.constant 1 : i32
      %add3A_119 = arith.addi %mul3A_117, %add3A_118 : i32
      %shift_right_arithmetic3A_120 = arith.constant 1 : i32
      %shift_right_arithmetic3A_121 = arith.shrsi %add3A_119, %shift_right_arithmetic3A_120 : i32
      %and3A_122 = arith.constant 1 : i32
      %and3A_123 = arith.andi %add3A_119, %and3A_122 : i32
      %mul3A_124 = arith.constant 256 : i32
      %mul3A_125 = arith.muli %and3A_123, %mul3A_124 : i32
      %add3A_126 = arith.addi %mul3A_2, %mul3A_125 : i32
      %mul3A_127 = arith.constant 8 : i32
      %mul3A_128 = arith.muli %shift_right_arithmetic3A_121, %mul3A_127 : i32
      %dma_wait3A_129 = arith.constant 1 : i32
      %dma_wait3A_130 = arith.constant 0 : i32
      %dma_wait3A_131 = arith.constant 0 : i32
      %dma_wait3A_132 = tpu.memref_slice %arg8[%dma_wait3A_129, %dma_wait3A_130, %dma_wait3A_131] : memref<2x8x256xi32, #tpu.memory_space<vmem>> -> memref<1x8x256xi32, #tpu.memory_space<vmem>>
      %dma_wait3A_133 = tpu.memref_squeeze %dma_wait3A_132 : memref<1x8x256xi32, #tpu.memory_space<vmem>> -> memref<8x256xi32, #tpu.memory_space<vmem>>
      %dma_wait3A_134 = tpu.memref_slice %arg2[%mul3A_128, %add3A_126] : memref<200x16384xi32, #tpu.memory_space<hbm>> -> memref<8x256xi32, #tpu.memory_space<hbm>>
      %dma_wait3A_135 = arith.constant 0 : i32
      %dma_wait3A_136 = arith.constant 0 : i32
      %dma_wait3A_137 = tpu.memref_slice %arg8[%dma_wait3A_129, %dma_wait3A_135, %dma_wait3A_136] : memref<2x8x256xi32, #tpu.memory_space<vmem>> -> memref<1x8x256xi32, #tpu.memory_space<vmem>>
      %dma_wait3A_138 = tpu.memref_squeeze %dma_wait3A_137 : memref<1x8x256xi32, #tpu.memory_space<vmem>> -> memref<8x256xi32, #tpu.memory_space<vmem>>
      %dma_wait3A_139 = tpu.memref_slice %arg2[%mul3A_128, %add3A_126] : memref<200x16384xi32, #tpu.memory_space<hbm>> -> memref<8x256xi32, #tpu.memory_space<hbm>>
      tpu.wait_dma2 semaphore(%arg11 : memref<!tpu.dma_semaphore, #tpu.memory_space<semaphore_mem>>) src(%dma_wait3A_139 : memref<8x256xi32, #tpu.memory_space<hbm>>) dst(%dma_wait3A_138 : memref<8x256xi32, #tpu.memory_space<vmem>>)
      %add3A_140 = arith.constant 1 : i32
      %add3A_141 = arith.addi %add3A_119, %add3A_140 : i32
      %lt3A_142 = arith.constant 50 : i32
      %lt3A_143 = arith.cmpi slt, %add3A_141, %lt3A_142 : i32
      %convert_element_type3A_144 = arith.extui %lt3A_143 : i1 to i32
      %cond3A_145 = arith.constant 0 : i32
      %cond3A_146 = arith.cmpi ne, %convert_element_type3A_144, %cond3A_145 : i32
      scf.if %cond3A_146 {
        %add3A_179 = arith.constant 1 : i32
        %add3A_180 = arith.addi %add3A_119, %add3A_179 : i32
        %shift_right_arithmetic3A_181 = arith.constant 1 : i32
        %shift_right_arithmetic3A_182 = arith.shrsi %add3A_180, %shift_right_arithmetic3A_181 : i32
        %and3A_183 = arith.constant 1 : i32
        %and3A_184 = arith.andi %add3A_180, %and3A_183 : i32
        %mul3A_185 = arith.constant 256 : i32
        %mul3A_186 = arith.muli %and3A_184, %mul3A_185 : i32
        %add3A_187 = arith.addi %mul3A_2, %mul3A_186 : i32
        %mul3A_188 = arith.constant 8 : i32
        %mul3A_189 = arith.muli %shift_right_arithmetic3A_182, %mul3A_188 : i32
        %dma_start3A_190 = arith.constant 0 : i32
        %dma_start3A_191 = arith.constant 0 : i32
        %dma_start3A_192 = arith.constant 0 : i32
        %dma_start3A_193 = tpu.memref_slice %arg8[%dma_start3A_190, %dma_start3A_191, %dma_start3A_192] : memref<2x8x256xi32, #tpu.memory_space<vmem>> -> memref<1x8x256xi32, #tpu.memory_space<vmem>>
        %dma_start3A_194 = tpu.memref_squeeze %dma_start3A_193 : memref<1x8x256xi32, #tpu.memory_space<vmem>> -> memref<8x256xi32, #tpu.memory_space<vmem>>
        %dma_start3A_195 = tpu.memref_slice %arg2[%mul3A_189, %add3A_187] : memref<200x16384xi32, #tpu.memory_space<hbm>> -> memref<8x256xi32, #tpu.memory_space<hbm>>
        %dma_start3A_196 = arith.constant 0 : i32
        %dma_start3A_197 = arith.constant 0 : i32
        %dma_start3A_198 = tpu.memref_slice %arg8[%dma_start3A_190, %dma_start3A_196, %dma_start3A_197] : memref<2x8x256xi32, #tpu.memory_space<vmem>> -> memref<1x8x256xi32, #tpu.memory_space<vmem>>
        %dma_start3A_199 = tpu.memref_squeeze %dma_start3A_198 : memref<1x8x256xi32, #tpu.memory_space<vmem>> -> memref<8x256xi32, #tpu.memory_space<vmem>>
        %dma_start3A_200 = tpu.memref_slice %arg2[%mul3A_189, %add3A_187] : memref<200x16384xi32, #tpu.memory_space<hbm>> -> memref<8x256xi32, #tpu.memory_space<hbm>>
        tpu.enqueue_dma source(%dma_start3A_200 : memref<8x256xi32, #tpu.memory_space<hbm>>) target(%dma_start3A_199 : memref<8x256xi32, #tpu.memory_space<vmem>>) target_semaphore(%arg10 : memref<!tpu.dma_semaphore, #tpu.memory_space<semaphore_mem>>)
      } else {
      }
      %ge3A_147 = arith.constant 2 : i32
      %ge3A_148 = arith.cmpi sge, %add3A_119, %ge3A_147 : i32
      %convert_element_type3A_149 = arith.extui %ge3A_148 : i1 to i32
      %cond3A_150 = arith.constant 0 : i32
      %cond3A_151 = arith.cmpi ne, %convert_element_type3A_149, %cond3A_150 : i32
      scf.if %cond3A_151 {
        %sub3A = arith.constant 2 : i32
        %sub3A_179 = arith.subi %add3A_119, %sub3A : i32
        %shift_right_arithmetic3A_180 = arith.constant 1 : i32
        %shift_right_arithmetic3A_181 = arith.shrsi %sub3A_179, %shift_right_arithmetic3A_180 : i32
        %and3A_182 = arith.constant 1 : i32
        %and3A_183 = arith.andi %sub3A_179, %and3A_182 : i32
        %mul3A_184 = arith.constant 256 : i32
        %mul3A_185 = arith.muli %and3A_183, %mul3A_184 : i32
        %add3A_186 = arith.addi %mul3A_2, %mul3A_185 : i32
        %mul3A_187 = arith.constant 8 : i32
        %mul3A_188 = arith.muli %shift_right_arithmetic3A_181, %mul3A_187 : i32
        %dma_wait3A_189 = arith.constant 1 : i32
        %dma_wait3A_190 = arith.constant 0 : i32
        %dma_wait3A_191 = arith.constant 0 : i32
        %dma_wait3A_192 = arith.constant 0 : i32
        %dma_wait3A_193 = tpu.memref_slice %arg9[%dma_wait3A_189, %dma_wait3A_190, %dma_wait3A_191, %dma_wait3A_192] : memref<2x10x8x256xf32, #tpu.memory_space<vmem>> -> memref<1x10x8x256xf32, #tpu.memory_space<vmem>>
        %dma_wait3A_194 = tpu.memref_squeeze %dma_wait3A_193 : memref<1x10x8x256xf32, #tpu.memory_space<vmem>> -> memref<10x8x256xf32, #tpu.memory_space<vmem>>
        %dma_wait3A_195 = arith.constant 0 : i32
        %dma_wait3A_196 = tpu.memref_slice %arg5[%dma_wait3A_195, %mul3A_188, %add3A_186] : memref<10x200x16384xf32, #tpu.memory_space<hbm>> -> memref<10x8x256xf32, #tpu.memory_space<hbm>>
        %dma_wait3A_197 = arith.constant 0 : i32
        %dma_wait3A_198 = tpu.memref_slice %arg5[%dma_wait3A_197, %mul3A_188, %add3A_186] : memref<10x200x16384xf32, #tpu.memory_space<hbm>> -> memref<10x8x256xf32, #tpu.memory_space<hbm>>
        %dma_wait3A_199 = arith.constant 0 : i32
        %dma_wait3A_200 = arith.constant 0 : i32
        %dma_wait3A_201 = arith.constant 0 : i32
        %dma_wait3A_202 = tpu.memref_slice %arg9[%dma_wait3A_189, %dma_wait3A_199, %dma_wait3A_200, %dma_wait3A_201] : memref<2x10x8x256xf32, #tpu.memory_space<vmem>> -> memref<1x10x8x256xf32, #tpu.memory_space<vmem>>
        %dma_wait3A_203 = tpu.memref_squeeze %dma_wait3A_202 : memref<1x10x8x256xf32, #tpu.memory_space<vmem>> -> memref<10x8x256xf32, #tpu.memory_space<vmem>>
        tpu.wait_dma2 semaphore(%arg13 : memref<!tpu.dma_semaphore, #tpu.memory_space<semaphore_mem>>) src(%dma_wait3A_203 : memref<10x8x256xf32, #tpu.memory_space<vmem>>) dst(%dma_wait3A_198 : memref<10x8x256xf32, #tpu.memory_space<hbm>>)
      } else {
      }
      %parallel_loop3A_152 = arith.constant 0 : i32
      %parallel_loop3A_153 = arith.constant 128 : i32
      %parallel_loop3A_154 = arith.constant 1 : i32
      scf.for %parallel_loop3A_179 = %parallel_loop3A_152 to %parallel_loop3A_153 step %parallel_loop3A_154  : i32 {
        %parallel_loop3A_180 = arith.constant 4 : i32
        %parallel_loop3A_181 = arith.shrsi %parallel_loop3A_179, %parallel_loop3A_180 : i32
        %parallel_loop3A_182 = arith.constant 15 : i32
        %parallel_loop3A_183 = arith.andi %parallel_loop3A_179, %parallel_loop3A_182 : i32
        %parallel_loop3A_184 = arith.constant 16 : i32
        %parallel_loop3A_185 = arith.muli %parallel_loop3A_183, %parallel_loop3A_184 : i32
        %parallel_loop3A_186 = tpu.assume_multiple %parallel_loop3A_185, 16 : i32
        %parallel_loop3A_187 = arith.constant 1 : i32
        %parallel_loop3A_188 = arith.index_cast %parallel_loop3A_187 : i32 to index
        %parallel_loop3A_189 = arith.index_cast %parallel_loop3A_181 : i32 to index
        %parallel_loop3A_190 = arith.index_cast %parallel_loop3A_186 : i32 to index
        %parallel_loop3A_191 = tpu.vector_load %arg8[%parallel_loop3A_188, %parallel_loop3A_189, %parallel_loop3A_190] {strides = array<i32>} : memref<2x8x256xi32, #tpu.memory_space<vmem>>, vector<16xi32>,
        %parallel_loop3A_192 = tpu.vector_load_idx %arg6[%parallel_loop3A_191] : memref<10000xi32, #tpu.memory_space<vmem>>[vector<16xi32>], vector<16xi32>,
        %parallel_loop3A_193 = arith.constant 0 : i32
        %parallel_loop3A_194 = vector.broadcast %parallel_loop3A_193 : i32 to vector<16xi32>
        %parallel_loop3A_195 = arith.maxsi %parallel_loop3A_192, %parallel_loop3A_194 : vector<16xi32>
        %parallel_loop3A_196 = arith.constant 99 : i32
        %parallel_loop3A_197 = vector.broadcast %parallel_loop3A_196 : i32 to vector<16xi32>
        %parallel_loop3A_198 = arith.minsi %parallel_loop3A_195, %parallel_loop3A_197 : vector<16xi32>
        %parallel_loop3A_199 = arith.constant 10 : i32
        %parallel_loop3A_200 = vector.broadcast %parallel_loop3A_199 : i32 to vector<16xi32>
        %parallel_loop3A_201 = arith.muli %parallel_loop3A_198, %parallel_loop3A_200 : vector<16xi32>
        %parallel_loop3A_202 = arith.constant 0 : i32
        %parallel_loop3A_203 = vector.broadcast %parallel_loop3A_202 : i32 to vector<16xi32>
        %parallel_loop3A_204 = arith.addi %parallel_loop3A_201, %parallel_loop3A_203 : vector<16xi32>
        %parallel_loop3A_205 = tpu.vector_load_idx %arg7[%parallel_loop3A_204] : memref<1000xf32, #tpu.memory_space<vmem>>[vector<16xi32>], vector<16xf32>,
        %parallel_loop3A_206 = arith.constant 1 : i32
        %parallel_loop3A_207 = arith.constant 0 : i32
        %parallel_loop3A_208 = arith.index_cast %parallel_loop3A_206 : i32 to index
        %parallel_loop3A_209 = arith.index_cast %parallel_loop3A_207 : i32 to index
        %parallel_loop3A_210 = arith.index_cast %parallel_loop3A_181 : i32 to index
        %parallel_loop3A_211 = arith.index_cast %parallel_loop3A_186 : i32 to index
        %parallel_loop3A_212 = tpu.vector_load %arg9[%parallel_loop3A_208, %parallel_loop3A_209, %parallel_loop3A_210, %parallel_loop3A_211] {strides = array<i32>} : memref<2x10x8x256xf32, #tpu.memory_space<vmem>>, vector<16xf32>,
        tpu.vector_store %arg9[%parallel_loop3A_208, %parallel_loop3A_209, %parallel_loop3A_210, %parallel_loop3A_211], %parallel_loop3A_205 {strides = array<i32>} : memref<2x10x8x256xf32, #tpu.memory_space<vmem>>, vector<16xf32>,
        %parallel_loop3A_213 = arith.constant 1 : i32
        %parallel_loop3A_214 = vector.broadcast %parallel_loop3A_213 : i32 to vector<16xi32>
        %parallel_loop3A_215 = arith.addi %parallel_loop3A_201, %parallel_loop3A_214 : vector<16xi32>
        %parallel_loop3A_216 = tpu.vector_load_idx %arg7[%parallel_loop3A_215] : memref<1000xf32, #tpu.memory_space<vmem>>[vector<16xi32>], vector<16xf32>,
        %parallel_loop3A_217 = arith.constant 1 : i32
        %parallel_loop3A_218 = arith.constant 1 : i32
        %parallel_loop3A_219 = arith.index_cast %parallel_loop3A_217 : i32 to index
        %parallel_loop3A_220 = arith.index_cast %parallel_loop3A_218 : i32 to index
        %parallel_loop3A_221 = arith.index_cast %parallel_loop3A_181 : i32 to index
        %parallel_loop3A_222 = arith.index_cast %parallel_loop3A_186 : i32 to index
        %parallel_loop3A_223 = tpu.vector_load %arg9[%parallel_loop3A_219, %parallel_loop3A_220, %parallel_loop3A_221, %parallel_loop3A_222] {strides = array<i32>} : memref<2x10x8x256xf32, #tpu.memory_space<vmem>>, vector<16xf32>,
        tpu.vector_store %arg9[%parallel_loop3A_219, %parallel_loop3A_220, %parallel_loop3A_221, %parallel_loop3A_222], %parallel_loop3A_216 {strides = array<i32>} : memref<2x10x8x256xf32, #tpu.memory_space<vmem>>, vector<16xf32>,
        %parallel_loop3A_224 = arith.constant 2 : i32
        %parallel_loop3A_225 = vector.broadcast %parallel_loop3A_224 : i32 to vector<16xi32>
        %parallel_loop3A_226 = arith.addi %parallel_loop3A_201, %parallel_loop3A_225 : vector<16xi32>
        %parallel_loop3A_227 = tpu.vector_load_idx %arg7[%parallel_loop3A_226] : memref<1000xf32, #tpu.memory_space<vmem>>[vector<16xi32>], vector<16xf32>,
        %parallel_loop3A_228 = arith.constant 1 : i32
        %parallel_loop3A_229 = arith.constant 2 : i32
        %parallel_loop3A_230 = arith.index_cast %parallel_loop3A_228 : i32 to index
        %parallel_loop3A_231 = arith.index_cast %parallel_loop3A_229 : i32 to index
        %parallel_loop3A_232 = arith.index_cast %parallel_loop3A_181 : i32 to index
        %parallel_loop3A_233 = arith.index_cast %parallel_loop3A_186 : i32 to index
        %parallel_loop3A_234 = tpu.vector_load %arg9[%parallel_loop3A_230, %parallel_loop3A_231, %parallel_loop3A_232, %parallel_loop3A_233] {strides = array<i32>} : memref<2x10x8x256xf32, #tpu.memory_space<vmem>>, vector<16xf32>,
        tpu.vector_store %arg9[%parallel_loop3A_230, %parallel_loop3A_231, %parallel_loop3A_232, %parallel_loop3A_233], %parallel_loop3A_227 {strides = array<i32>} : memref<2x10x8x256xf32, #tpu.memory_space<vmem>>, vector<16xf32>,
        %parallel_loop3A_235 = arith.constant 3 : i32
        %parallel_loop3A_236 = vector.broadcast %parallel_loop3A_235 : i32 to vector<16xi32>
        %parallel_loop3A_237 = arith.addi %parallel_loop3A_201, %parallel_loop3A_236 : vector<16xi32>
        %parallel_loop3A_238 = tpu.vector_load_idx %arg7[%parallel_loop3A_237] : memref<1000xf32, #tpu.memory_space<vmem>>[vector<16xi32>], vector<16xf32>,
        %parallel_loop3A_239 = arith.constant 1 : i32
        %parallel_loop3A_240 = arith.constant 3 : i32
        %parallel_loop3A_241 = arith.index_cast %parallel_loop3A_239 : i32 to index
        %parallel_loop3A_242 = arith.index_cast %parallel_loop3A_240 : i32 to index
        %parallel_loop3A_243 = arith.index_cast %parallel_loop3A_181 : i32 to index
        %parallel_loop3A_244 = arith.index_cast %parallel_loop3A_186 : i32 to index
        %parallel_loop3A_245 = tpu.vector_load %arg9[%parallel_loop3A_241, %parallel_loop3A_242, %parallel_loop3A_243, %parallel_loop3A_244] {strides = array<i32>} : memref<2x10x8x256xf32, #tpu.memory_space<vmem>>, vector<16xf32>,
        tpu.vector_store %arg9[%parallel_loop3A_241, %parallel_loop3A_242, %parallel_loop3A_243, %parallel_loop3A_244], %parallel_loop3A_238 {strides = array<i32>} : memref<2x10x8x256xf32, #tpu.memory_space<vmem>>, vector<16xf32>,
        %parallel_loop3A_246 = arith.constant 4 : i32
        %parallel_loop3A_247 = vector.broadcast %parallel_loop3A_246 : i32 to vector<16xi32>
        %parallel_loop3A_248 = arith.addi %parallel_loop3A_201, %parallel_loop3A_247 : vector<16xi32>
        %parallel_loop3A_249 = tpu.vector_load_idx %arg7[%parallel_loop3A_248] : memref<1000xf32, #tpu.memory_space<vmem>>[vector<16xi32>], vector<16xf32>,
        %parallel_loop3A_250 = arith.constant 1 : i32
        %parallel_loop3A_251 = arith.constant 4 : i32
        %parallel_loop3A_252 = arith.index_cast %parallel_loop3A_250 : i32 to index
        %parallel_loop3A_253 = arith.index_cast %parallel_loop3A_251 : i32 to index
        %parallel_loop3A_254 = arith.index_cast %parallel_loop3A_181 : i32 to index
        %parallel_loop3A_255 = arith.index_cast %parallel_loop3A_186 : i32 to index
        %parallel_loop3A_256 = tpu.vector_load %arg9[%parallel_loop3A_252, %parallel_loop3A_253, %parallel_loop3A_254, %parallel_loop3A_255] {strides = array<i32>} : memref<2x10x8x256xf32, #tpu.memory_space<vmem>>, vector<16xf32>,
        tpu.vector_store %arg9[%parallel_loop3A_252, %parallel_loop3A_253, %parallel_loop3A_254, %parallel_loop3A_255], %parallel_loop3A_249 {strides = array<i32>} : memref<2x10x8x256xf32, #tpu.memory_space<vmem>>, vector<16xf32>,
        %parallel_loop3A_257 = arith.constant 5 : i32
        %parallel_loop3A_258 = vector.broadcast %parallel_loop3A_257 : i32 to vector<16xi32>
        %parallel_loop3A_259 = arith.addi %parallel_loop3A_201, %parallel_loop3A_258 : vector<16xi32>
        %parallel_loop3A_260 = tpu.vector_load_idx %arg7[%parallel_loop3A_259] : memref<1000xf32, #tpu.memory_space<vmem>>[vector<16xi32>], vector<16xf32>,
        %parallel_loop3A_261 = arith.constant 1 : i32
        %parallel_loop3A_262 = arith.constant 5 : i32
        %parallel_loop3A_263 = arith.index_cast %parallel_loop3A_261 : i32 to index
        %parallel_loop3A_264 = arith.index_cast %parallel_loop3A_262 : i32 to index
        %parallel_loop3A_265 = arith.index_cast %parallel_loop3A_181 : i32 to index
        %parallel_loop3A_266 = arith.index_cast %parallel_loop3A_186 : i32 to index
        %parallel_loop3A_267 = tpu.vector_load %arg9[%parallel_loop3A_263, %parallel_loop3A_264, %parallel_loop3A_265, %parallel_loop3A_266] {strides = array<i32>} : memref<2x10x8x256xf32, #tpu.memory_space<vmem>>, vector<16xf32>,
        tpu.vector_store %arg9[%parallel_loop3A_263, %parallel_loop3A_264, %parallel_loop3A_265, %parallel_loop3A_266], %parallel_loop3A_260 {strides = array<i32>} : memref<2x10x8x256xf32, #tpu.memory_space<vmem>>, vector<16xf32>,
        %parallel_loop3A_268 = arith.constant 6 : i32
        %parallel_loop3A_269 = vector.broadcast %parallel_loop3A_268 : i32 to vector<16xi32>
        %parallel_loop3A_270 = arith.addi %parallel_loop3A_201, %parallel_loop3A_269 : vector<16xi32>
        %parallel_loop3A_271 = tpu.vector_load_idx %arg7[%parallel_loop3A_270] : memref<1000xf32, #tpu.memory_space<vmem>>[vector<16xi32>], vector<16xf32>,
        %parallel_loop3A_272 = arith.constant 1 : i32
        %parallel_loop3A_273 = arith.constant 6 : i32
        %parallel_loop3A_274 = arith.index_cast %parallel_loop3A_272 : i32 to index
        %parallel_loop3A_275 = arith.index_cast %parallel_loop3A_273 : i32 to index
        %parallel_loop3A_276 = arith.index_cast %parallel_loop3A_181 : i32 to index
        %parallel_loop3A_277 = arith.index_cast %parallel_loop3A_186 : i32 to index
        %parallel_loop3A_278 = tpu.vector_load %arg9[%parallel_loop3A_274, %parallel_loop3A_275, %parallel_loop3A_276, %parallel_loop3A_277] {strides = array<i32>} : memref<2x10x8x256xf32, #tpu.memory_space<vmem>>, vector<16xf32>,
        tpu.vector_store %arg9[%parallel_loop3A_274, %parallel_loop3A_275, %parallel_loop3A_276, %parallel_loop3A_277], %parallel_loop3A_271 {strides = array<i32>} : memref<2x10x8x256xf32, #tpu.memory_space<vmem>>, vector<16xf32>,
        %parallel_loop3A_279 = arith.constant 7 : i32
        %parallel_loop3A_280 = vector.broadcast %parallel_loop3A_279 : i32 to vector<16xi32>
        %parallel_loop3A_281 = arith.addi %parallel_loop3A_201, %parallel_loop3A_280 : vector<16xi32>
        %parallel_loop3A_282 = tpu.vector_load_idx %arg7[%parallel_loop3A_281] : memref<1000xf32, #tpu.memory_space<vmem>>[vector<16xi32>], vector<16xf32>,
        %parallel_loop3A_283 = arith.constant 1 : i32
        %parallel_loop3A_284 = arith.constant 7 : i32
        %parallel_loop3A_285 = arith.index_cast %parallel_loop3A_283 : i32 to index
        %parallel_loop3A_286 = arith.index_cast %parallel_loop3A_284 : i32 to index
        %parallel_loop3A_287 = arith.index_cast %parallel_loop3A_181 : i32 to index
        %parallel_loop3A_288 = arith.index_cast %parallel_loop3A_186 : i32 to index
        %parallel_loop3A_289 = tpu.vector_load %arg9[%parallel_loop3A_285, %parallel_loop3A_286, %parallel_loop3A_287, %parallel_loop3A_288] {strides = array<i32>} : memref<2x10x8x256xf32, #tpu.memory_space<vmem>>, vector<16xf32>,
        tpu.vector_store %arg9[%parallel_loop3A_285, %parallel_loop3A_286, %parallel_loop3A_287, %parallel_loop3A_288], %parallel_loop3A_282 {strides = array<i32>} : memref<2x10x8x256xf32, #tpu.memory_space<vmem>>, vector<16xf32>,
        %parallel_loop3A_290 = arith.constant 8 : i32
        %parallel_loop3A_291 = vector.broadcast %parallel_loop3A_290 : i32 to vector<16xi32>
        %parallel_loop3A_292 = arith.addi %parallel_loop3A_201, %parallel_loop3A_291 : vector<16xi32>
        %parallel_loop3A_293 = tpu.vector_load_idx %arg7[%parallel_loop3A_292] : memref<1000xf32, #tpu.memory_space<vmem>>[vector<16xi32>], vector<16xf32>,
        %parallel_loop3A_294 = arith.constant 1 : i32
        %parallel_loop3A_295 = arith.constant 8 : i32
        %parallel_loop3A_296 = arith.index_cast %parallel_loop3A_294 : i32 to index
        %parallel_loop3A_297 = arith.index_cast %parallel_loop3A_295 : i32 to index
        %parallel_loop3A_298 = arith.index_cast %parallel_loop3A_181 : i32 to index
        %parallel_loop3A_299 = arith.index_cast %parallel_loop3A_186 : i32 to index
        %parallel_loop3A_300 = tpu.vector_load %arg9[%parallel_loop3A_296, %parallel_loop3A_297, %parallel_loop3A_298, %parallel_loop3A_299] {strides = array<i32>} : memref<2x10x8x256xf32, #tpu.memory_space<vmem>>, vector<16xf32>,
        tpu.vector_store %arg9[%parallel_loop3A_296, %parallel_loop3A_297, %parallel_loop3A_298, %parallel_loop3A_299], %parallel_loop3A_293 {strides = array<i32>} : memref<2x10x8x256xf32, #tpu.memory_space<vmem>>, vector<16xf32>,
        %parallel_loop3A_301 = arith.constant 9 : i32
        %parallel_loop3A_302 = vector.broadcast %parallel_loop3A_301 : i32 to vector<16xi32>
        %parallel_loop3A_303 = arith.addi %parallel_loop3A_201, %parallel_loop3A_302 : vector<16xi32>
        %parallel_loop3A_304 = tpu.vector_load_idx %arg7[%parallel_loop3A_303] : memref<1000xf32, #tpu.memory_space<vmem>>[vector<16xi32>], vector<16xf32>,
        %parallel_loop3A_305 = arith.constant 1 : i32
        %parallel_loop3A_306 = arith.constant 9 : i32
        %parallel_loop3A_307 = arith.index_cast %parallel_loop3A_305 : i32 to index
        %parallel_loop3A_308 = arith.index_cast %parallel_loop3A_306 : i32 to index
        %parallel_loop3A_309 = arith.index_cast %parallel_loop3A_181 : i32 to index
        %parallel_loop3A_310 = arith.index_cast %parallel_loop3A_186 : i32 to index
        %parallel_loop3A_311 = tpu.vector_load %arg9[%parallel_loop3A_307, %parallel_loop3A_308, %parallel_loop3A_309, %parallel_loop3A_310] {strides = array<i32>} : memref<2x10x8x256xf32, #tpu.memory_space<vmem>>, vector<16xf32>,
        tpu.vector_store %arg9[%parallel_loop3A_307, %parallel_loop3A_308, %parallel_loop3A_309, %parallel_loop3A_310], %parallel_loop3A_304 {strides = array<i32>} : memref<2x10x8x256xf32, #tpu.memory_space<vmem>>, vector<16xf32>,
      } {sc.loop_unroll_factor = 8 : i64, sc.parallel_access}
      %shift_right_arithmetic3A_155 = arith.constant 1 : i32
      %shift_right_arithmetic3A_156 = arith.shrsi %add3A_119, %shift_right_arithmetic3A_155 : i32
      %and3A_157 = arith.constant 1 : i32
      %and3A_158 = arith.andi %add3A_119, %and3A_157 : i32
      %mul3A_159 = arith.constant 256 : i32
      %mul3A_160 = arith.muli %and3A_158, %mul3A_159 : i32
      %add3A_161 = arith.addi %mul3A_2, %mul3A_160 : i32
      %mul3A_162 = arith.constant 8 : i32
      %mul3A_163 = arith.muli %shift_right_arithmetic3A_156, %mul3A_162 : i32
      %dma_start3A_164 = arith.constant 1 : i32
      %dma_start3A_165 = arith.constant 0 : i32
      %dma_start3A_166 = arith.constant 0 : i32
      %dma_start3A_167 = arith.constant 0 : i32
      %dma_start3A_168 = tpu.memref_slice %arg9[%dma_start3A_164, %dma_start3A_165, %dma_start3A_166, %dma_start3A_167] : memref<2x10x8x256xf32, #tpu.memory_space<vmem>> -> memref<1x10x8x256xf32, #tpu.memory_space<vmem>>
      %dma_start3A_169 = tpu.memref_squeeze %dma_start3A_168 : memref<1x10x8x256xf32, #tpu.memory_space<vmem>> -> memref<10x8x256xf32, #tpu.memory_space<vmem>>
      %dma_start3A_170 = arith.constant 0 : i32
      %dma_start3A_171 = tpu.memref_slice %arg5[%dma_start3A_170, %mul3A_163, %add3A_161] : memref<10x200x16384xf32, #tpu.memory_space<hbm>> -> memref<10x8x256xf32, #tpu.memory_space<hbm>>
      %dma_start3A_172 = arith.constant 0 : i32
      %dma_start3A_173 = tpu.memref_slice %arg5[%dma_start3A_172, %mul3A_163, %add3A_161] : memref<10x200x16384xf32, #tpu.memory_space<hbm>> -> memref<10x8x256xf32, #tpu.memory_space<hbm>>
      %dma_start3A_174 = arith.constant 0 : i32
      %dma_start3A_175 = arith.constant 0 : i32
      %dma_start3A_176 = arith.constant 0 : i32
      %dma_start3A_177 = tpu.memref_slice %arg9[%dma_start3A_164, %dma_start3A_174, %dma_start3A_175, %dma_start3A_176] : memref<2x10x8x256xf32, #tpu.memory_space<vmem>> -> memref<1x10x8x256xf32, #tpu.memory_space<vmem>>
      %dma_start3A_178 = tpu.memref_squeeze %dma_start3A_177 : memref<1x10x8x256xf32, #tpu.memory_space<vmem>> -> memref<10x8x256xf32, #tpu.memory_space<vmem>>
      tpu.enqueue_dma source(%dma_start3A_178 : memref<10x8x256xf32, #tpu.memory_space<vmem>>) target(%dma_start3A_173 : memref<10x8x256xf32, #tpu.memory_space<hbm>>) target_semaphore(%arg13 : memref<!tpu.dma_semaphore, #tpu.memory_space<semaphore_mem>>)
    }
    %scan3A_21 = arith.constant 25 : i32
    %add3A_22 = arith.constant 0 : i32
    %add3A_23 = arith.addi %mul3A_2, %add3A_22 : i32
    %dma_wait3A = arith.constant 0 : i32
    %dma_wait3A_24 = arith.constant 0 : i32
    %dma_wait3A_25 = arith.constant 0 : i32
    %dma_wait3A_26 = arith.constant 0 : i32
    %dma_wait3A_27 = tpu.memref_slice %arg9[%dma_wait3A, %dma_wait3A_24, %dma_wait3A_25, %dma_wait3A_26] : memref<2x10x8x256xf32, #tpu.memory_space<vmem>> -> memref<1x10x8x256xf32, #tpu.memory_space<vmem>>
    %dma_wait3A_28 = tpu.memref_squeeze %dma_wait3A_27 : memref<1x10x8x256xf32, #tpu.memory_space<vmem>> -> memref<10x8x256xf32, #tpu.memory_space<vmem>>
    %dma_wait3A_29 = arith.constant 0 : i32
    %dma_wait3A_30 = arith.constant 192 : i32
    %dma_wait3A_31 = tpu.memref_slice %arg5[%dma_wait3A_29, %dma_wait3A_30, %add3A_23] : memref<10x200x16384xf32, #tpu.memory_space<hbm>> -> memref<10x8x256xf32, #tpu.memory_space<hbm>>
    %dma_wait3A_32 = arith.constant 0 : i32
    %dma_wait3A_33 = arith.constant 192 : i32
    %dma_wait3A_34 = tpu.memref_slice %arg5[%dma_wait3A_32, %dma_wait3A_33, %add3A_23] : memref<10x200x16384xf32, #tpu.memory_space<hbm>> -> memref<10x8x256xf32, #tpu.memory_space<hbm>>
    %dma_wait3A_35 = arith.constant 0 : i32
    %dma_wait3A_36 = arith.constant 0 : i32
    %dma_wait3A_37 = arith.constant 0 : i32
    %dma_wait3A_38 = tpu.memref_slice %arg9[%dma_wait3A, %dma_wait3A_35, %dma_wait3A_36, %dma_wait3A_37] : memref<2x10x8x256xf32, #tpu.memory_space<vmem>> -> memref<1x10x8x256xf32, #tpu.memory_space<vmem>>
    %dma_wait3A_39 = tpu.memref_squeeze %dma_wait3A_38 : memref<1x10x8x256xf32, #tpu.memory_space<vmem>> -> memref<10x8x256xf32, #tpu.memory_space<vmem>>
    tpu.wait_dma2 semaphore(%arg12 : memref<!tpu.dma_semaphore, #tpu.memory_space<semaphore_mem>>) src(%dma_wait3A_39 : memref<10x8x256xf32, #tpu.memory_space<vmem>>) dst(%dma_wait3A_34 : memref<10x8x256xf32, #tpu.memory_space<hbm>>)
    %add3A_40 = arith.constant 256 : i32
    %add3A_41 = arith.addi %mul3A_2, %add3A_40 : i32
    %dma_wait3A_42 = arith.constant 1 : i32
    %dma_wait3A_43 = arith.constant 0 : i32
    %dma_wait3A_44 = arith.constant 0 : i32
    %dma_wait3A_45 = arith.constant 0 : i32
    %dma_wait3A_46 = tpu.memref_slice %arg9[%dma_wait3A_42, %dma_wait3A_43, %dma_wait3A_44, %dma_wait3A_45] : memref<2x10x8x256xf32, #tpu.memory_space<vmem>> -> memref<1x10x8x256xf32, #tpu.memory_space<vmem>>
    %dma_wait3A_47 = tpu.memref_squeeze %dma_wait3A_46 : memref<1x10x8x256xf32, #tpu.memory_space<vmem>> -> memref<10x8x256xf32, #tpu.memory_space<vmem>>
    %dma_wait3A_48 = arith.constant 0 : i32
    %dma_wait3A_49 = arith.constant 192 : i32
    %dma_wait3A_50 = tpu.memref_slice %arg5[%dma_wait3A_48, %dma_wait3A_49, %add3A_41] : memref<10x200x16384xf32, #tpu.memory_space<hbm>> -> memref<10x8x256xf32, #tpu.memory_space<hbm>>
    %dma_wait3A_51 = arith.constant 0 : i32
    %dma_wait3A_52 = arith.constant 192 : i32
    %dma_wait3A_53 = tpu.memref_slice %arg5[%dma_wait3A_51, %dma_wait3A_52, %add3A_41] : memref<10x200x16384xf32, #tpu.memory_space<hbm>> -> memref<10x8x256xf32, #tpu.memory_space<hbm>>
    %dma_wait3A_54 = arith.constant 0 : i32
    %dma_wait3A_55 = arith.constant 0 : i32
    %dma_wait3A_56 = arith.constant 0 : i32
    %dma_wait3A_57 = tpu.memref_slice %arg9[%dma_wait3A_42, %dma_wait3A_54, %dma_wait3A_55, %dma_wait3A_56] : memref<2x10x8x256xf32, #tpu.memory_space<vmem>> -> memref<1x10x8x256xf32, #tpu.memory_space<vmem>>
    %dma_wait3A_58 = tpu.memref_squeeze %dma_wait3A_57 : memref<1x10x8x256xf32, #tpu.memory_space<vmem>> -> memref<10x8x256xf32, #tpu.memory_space<vmem>>
    tpu.wait_dma2 semaphore(%arg13 : memref<!tpu.dma_semaphore, #tpu.memory_space<semaphore_mem>>) src(%dma_wait3A_58 : memref<10x8x256xf32, #tpu.memory_space<vmem>>) dst(%dma_wait3A_53 : memref<10x8x256xf32, #tpu.memory_space<hbm>>)
    return
  }
}

</mosaic_0001>

<sc_bundles>
// kernel: kernel.3.cloned.1.call-start
scs
__scs_entry_jumppad:
0x0: {  	(pc) =	sbr.rel $0x88, $3  }
0x1: {  	(tag) =	ssettag $0x0;
	lr =	simm.s32 $0x1  }
0x2: {  	[smem:$0x3F9E] =	sst lr;
	_ =	strace $0xD0000000  }
0x3: {  	_ = 	snop  }
0x4: {  	_ = 	snop  }
0x5: {  	_ = 	snop  }
0x6: {  	_ = 	snop  }
0x7: {  	_ = 	snop  }
__scs_overlays_trampoline_lowered:
0x8: {  	[smem:$0x3FAD] =	sst s0  }
0x9: {  	[smem:$0x3FAE] =	sst s1  }
0xa: {  	[smem:$0x3FAF] =	sst s2  }
0xb: {  	[smem:$0x3FB0] =	sst s3  }
0xc: {  	[smem:$0x3FB1] =	sst s4  }
0xd: {  	[smem:$0x3FB2] =	sst s5  }
0xe: {  	[smem:$0x3FB3] =	sst s6  }
0xf: {  	[smem:$0x3FB4] =	sst s7  }
0x10: {  	[smem:$0x3FB5] =	sst s8  }
0x11: {  	[smem:$0x3FB6] =	sst s9;
	s0 =	simm.s32 @!p0 $0x0  }
0x12: {  	s1 =	sld [smem:$0x3F9C];
	s0 =	simm.s32 @p0 $0x1  }
0x13: {  	[smem:$0x3FB7] =	sst s0;
	s0 =	simm.s32 @!p1 $0x0  }
0x14: {  	s2 =	sld [smem:$0x3F9B];
	s0 =	simm.s32 @p1 $0x1  }
0x15: {  	[smem:$0x3FB8] =	sst s0;
	s0 =	simm.s32 @!p2 $0x0  }
0x16: {  	s3 =	sld [smem:$0x3FDB];
	s0 =	simm.s32 @p2 $0x1  }
0x17: {  	s4 =	simm.s32 $0x1BF5;
	[smem:$0x3FBA] =	sst s0  }
0x18: {  	s0 =	sld [smem:$0x3F9D];
	_ =	swait.ge [sflag:s4], $0x0  }
0x19: {  	s7 =	sld [smem:$0x3F9E]  }
0x1a: {  	s8 =	sadd.s32 $0xFFFFE003, lr  }
0x1b: {  	s9 =	sadd.s32 $0xFFFFFEF7, lr;
	s5 =	simm.s32 $0xFFFFFFFF;
	p2 =	slt.u32 s8, $0xFFFFF086  }
0x1c: {  	p1 =	slt.u32 s9, $0xF7A;
	s5 =	simm.s32 @!p2 $0x0  }
0x1d: {  	s5 =	simm.s32 @p1 $0x1;
	p0 =	seq.s32 s7, s2  }
0x1e: {  	s7 =	smul.u32 @!p0 $0xF7A, s2;
	p2 =	seq.s32 @!p0 s5, $0x0  }
0x1f: {  	s9 =	smul.u32 $0xF7A, s1;
	s8 =	simm.s32 @!p0 $0x1BF5;
	p2 =	por !p2, p0  }
0x20: {  	[sflag:s8] =	ssyncset.s32 @!p0 $0xFFFFF086;
	s6 =	sadd.s32 @!p0 s3, s7;
	s7 =	simm.s32 @!p0 $0x108  }
0x21: {  	s3 =	sadd.s32 s3, s9;
	s6 =	sadd.s32 @!p0 $0x88, s6;
	s7 =	simm.s32 @p2 $0x1082  }
0x22: {  	[simem:s7], [sflag:s8] =	dma.local @!p0 [hbm:s6], $0xF7A  }
0x23: {  	s9 =	sor.u32 $0xD0000000, s2;
	s6 =	simm.s32 $0x108;
	_ =	swait.ge @!p0 [sflag:s8], $0x0  }
0x24: {  	s3 =	sadd.s32 $0x88, s3;
	s6 =	simm.s32 @!p1 $0x1082;
	[sflag:s4] =	ssyncset.s32 $0xFFFFF086  }
0x25: {  	[simem:s6], [sflag:s4] =	dma.local [hbm:s3], $0xF7A  }
0x26: {  	[smem:$0x3F9E] =	sst s1;
	(tag) =	ssettag s2;
	_ =	strace s9  }
0x27: {  	s1 =	sld [smem:$0x3FAE]  }
0x28: {  	s2 =	sld [smem:$0x3FAF]  }
0x29: {  	s4 =	sld [smem:$0x3FB1]  }
0x2a: {  	p0 =	seq.s32 s5, $0x0;
	s5 =	sld [smem:$0x3FB2]  }
0x2b: {  	s6 =	sld [smem:$0x3FB3]  }
0x2c: {  	s7 =	sld [smem:$0x3FB4]  }
0x2d: {  	s3 =	simm.s32 $0x108;
	s8 =	sld [smem:$0x3FB5]  }
0x2e: {  	s3 =	simm.s32 @!p0 $0x1082;
	s9 =	sld [smem:$0x3FB6]  }
0x2f: {  	lr =	sadd.s32 s0, s3;
	s0 =	sld [smem:$0x3FAD]  }
0x30: {  	s3 =	sld [smem:$0x3FB0]  }
0x31: {  	[smem:$0x3FB9] =	sst s10  }
0x32: {  	s10 =	sld [smem:$0x3FB7];
	_ =	sdelay $0x3  }
0x33: {  	p0 =	seq.s32 s10, $0x1;
	s10 =	sld [smem:$0x3FB9];
	_ =	sdelay $0x3  }
0x34: {  	[smem:$0x3FB9] =	sst s10  }
0x35: {  	s10 =	sld [smem:$0x3FB8];
	_ =	sdelay $0x3  }
0x36: {  	p1 =	seq.s32 s10, $0x1;
	s10 =	sld [smem:$0x3FB9];
	_ =	sdelay $0x3  }
0x37: {  	[smem:$0x3FB9] =	sst s10  }
0x38: {  	s10 =	sld [smem:$0x3FBA]  }
0x39: {  	_ = 	snop;
	(pc) =	sbr.ind lr, $3  }
0x3a: {  	_ = 	snop  }
0x3b: {  	_ = 	snop  }
0x3c: {  	p2 =	seq.s32 s10, $0x1;
	s10 =	sld [smem:$0x3FB9]  }
0x3d: {  	_ =	shalt  }
0x3e: {  	_ =	shalt  }
0x3f: {  	_ =	shalt  }
0x40: {  	_ =	shalt  }
0x41: {  	_ =	shalt  }
0x42: {  	_ =	shalt  }
0x43: {  	_ =	shalt  }
0x44: {  	_ =	shalt  }
0x45: {  	_ =	shalt  }
0x46: {  	_ =	shalt  }
0x47: {  	_ =	shalt  }
0x48: {  	_ =	shalt  }
0x49: {  	_ =	shalt  }
0x4a: {  	_ =	shalt  }
0x4b: {  	_ =	shalt  }
0x4c: {  	_ =	shalt  }
0x4d: {  	_ =	shalt  }
0x4e: {  	_ =	shalt  }
0x4f: {  	_ =	shalt  }
0x50: {  	_ =	shalt  }
0x51: {  	_ =	shalt  }
0x52: {  	_ =	shalt  }
0x53: {  	_ =	shalt  }
0x54: {  	_ =	shalt  }
0x55: {  	_ =	shalt  }
0x56: {  	_ =	shalt  }
0x57: {  	_ =	shalt  }
0x58: {  	_ =	shalt  }
0x59: {  	_ =	shalt  }
0x5a: {  	_ =	shalt  }
0x5b: {  	_ =	shalt  }
0x5c: {  	_ =	shalt  }
0x5d: {  	_ =	shalt  }
0x5e: {  	_ =	shalt  }
0x5f: {  	_ =	shalt  }
0x60: {  	_ =	shalt  }
0x61: {  	_ =	shalt  }
0x62: {  	_ =	shalt  }
0x63: {  	_ =	shalt  }
0x64: {  	_ =	shalt  }
0x65: {  	_ =	shalt  }
0x66: {  	_ =	shalt  }
0x67: {  	_ =	shalt  }
0x68: {  	_ =	shalt  }
0x69: {  	_ =	shalt  }
0x6a: {  	_ =	shalt  }
0x6b: {  	_ =	shalt  }
0x6c: {  	_ =	shalt  }
0x6d: {  	_ =	shalt  }
0x6e: {  	_ =	shalt  }
0x6f: {  	_ =	shalt  }
0x70: {  	_ =	shalt  }
0x71: {  	_ =	shalt  }
0x72: {  	_ =	shalt  }
0x73: {  	_ =	shalt  }
0x74: {  	_ =	shalt  }
0x75: {  	_ =	shalt  }
0x76: {  	_ =	shalt  }
0x77: {  	_ =	shalt  }
0x78: {  	_ =	shalt  }
0x79: {  	_ =	shalt  }
0x7a: {  	_ =	shalt  }
0x7b: {  	_ =	shalt  }
0x7c: {  	_ =	shalt  }
0x7d: {  	_ =	shalt  }
0x7e: {  	_ =	shalt  }
0x7f: {  	_ =	shalt  }
0x80: {  	_ =	shalt  }
0x81: {  	_ =	shalt  }
0x82: {  	_ =	shalt  }
0x83: {  	_ =	shalt  }
0x84: {  	_ =	shalt  }
0x85: {  	_ =	shalt  }
0x86: {  	_ =	shalt  }
0x87: {  	_ =	shalt  }
.Lfunc_end0:
.L_simem_size_0:
called_computation_lowered:
.L_overlay_start_0:
0x88: {  	s2 =	sld [smem:$0x3FD9]  }
0x89: {  	s3 =	sld [smem:$0x3FFE];
	_ =	sdelay $0x1  }
0x8a: {  	s1 =	srdreg.scid  }
0x8b: {  	s0 =	sand.u32 $0x1, s1  }
0x8c: {  	s17 =	sshll.u32 s0, $0xA;
	s2 =	sadd.s32 s3, s2  }
0x8d: {  	s2 =	sadd.s32 s2, s17  }
0x8e: {  	[smem:$0x3FC5] =	sst s2  }
0x8f: {  	_ = 	snop  }
0x90: {  	s2 =	sld [smem:$0x3FC9]  }
0x91: {  	s18 =	sld [smem:$0x3FC8]  }
0x92: {  	s4 =	sld [smem:$0x3FD0];
	(tm) =	ssettm $0x1  }
0x93: {  	s5 =	sld [smem:$0x3FFB];
	_ =	sdelay $0x3  }
0x94: {  	_ =	strace s5  }
0x95: {  	s5 =	sld [smem:$0x3FFC];
	_ =	sdelay $0x3  }
0x96: {  	_ =	strace s5  }
0x97: {  	s5 =	sld [smem:$0x3FFD];
	_ =	sdelay $0x3  }
0x98: {  	_ =	strace s5  }
0x99: {  	_ =	strace $0x8FFFFFFF  }
0x9a: {  	s19 =	sld [smem:$0x3FDB];
	_ =	sdelay $0x1  }
0x9b: {  	s6 =	simm.s32 $_scs_section_size  }
0x9c: {  	s7 =	simm.s32 $_size__tile_overlayer_lowered;
	s8 =	simm.s32 $_tile_overlayer_lowered  }
0x9d: {  	s22 =	simm.s32 $0x1BFF;
	s21 =	sshll.u32 s8, $0x1;
	s5 =	sadd.s32 s6, s19  }
0x9e: {  	s9 =	simm.s32 $0x0;
	s20 =	sshll.u32 s7, $0x1;
	s7 =	sadd.s32 s21, s5  }
0x9f: {  	[timem:s9], [sflag:s22] =	dma.local [hbm:s7], s20  }
0xa0: {  	_ =	swait.ge [sflag:s22], s20  }
0xa1: {  	s6 =	ssub.s32 $0x0, s20;
	[sflag:s22] =	ssyncset.done $0x0  }
0xa2: {  	[sflag:s22] =	ssyncadd.s32 s6;
	_ =	sdelay $0x1  }
0xa3: {  	s23 =	simm.s32 $0x1B8B  }
0xa4: {  	_ =	swait.ge [sflag:s23], $0x1  }
0xa5: {  	[sflag:s23] =	ssyncset.done $0x0  }
0xa6: {  	s25 =	simm.s32 $0x1B8E;
	s24 =	sld [smem:$0x3FFE];
	[sflag:s23] =	ssyncadd.s32 $0xFFFFFFFF  }
0xa7: {  	s26 =	simm.s32 $execute0_lowered;
	[smem:$0x3FD2] =	sst s25  }
0xa8: {  	s7 =	sshll.u32 s26, $0x1;
	_ =	strace $0x80000046;
	[dreg:$0x1] =	wrdreg $0xFFFFFFFF  }
0xa9: {  	s28 =	simm.s32 $_size_execute0_lowered;
	s5 =	sadd.s32 s5, s7;
	[dreg:$0x0] =	wrdreg $0x0  }
0xaa: {  	s7 =	sshll.u32 s28, $0x1;
	[dreg:$0x2] =	wrdreg s5  }
0xab: {  	[dreg:$0x3] =	wrdreg s7  }
0xac: {  	[dreg:$0x4] =	wrdreg $0xC0  }
0xad: {  	_ =	task [dreg:s9], $0x5FFFF  }
0xae: {  	[dreg:$0x1] =	wrdreg $0xFFFFFFFF  }
0xaf: {  	[dreg:$0x0] =	wrdreg $0x60  }
0xb0: {  	[dreg:$0x2] =	wrdreg s2  }
0xb1: {  	[dreg:$0x3] =	wrdreg s18  }
0xb2: {  	[dreg:$0x4] =	wrdreg s24  }
0xb3: {  	[dreg:$0x5] =	wrdreg s4  }
0xb4: {  	[dreg:$0x6] =	wrdreg $0x9  }
0xb5: {  	_ =	task.clear_ibuf [dreg:s9], $0x7FFFF;
	_ =	strace $0x90000046  }
0xb6: {  	s29 =	simm.s32 $0x9;
	_ =	strace $0x80000048  }
0xb7: {  	_ =	swait.ge [sflag:s29], $0x1  }
0xb8: {  	[sflag:s29] =	ssyncadd.s32 $0xFFFFFFFF  }
0xb9: {  	_ =	strace $0x90000048  }
0xba: {  	_ =	sfence  }
0xbb: {  	s30 =	sld [smem:$0x0];
	_ =	sdelay $0x2  }
0xbc: {  	s31 =	sshll.u32 s1, $0xD;
	s1 =	sshrl.u32 s1, $0x2  }
0xbd: {  	s3 =	sand.u32 $0x4000, s31;
	s1 =	sadd.s32 s1, s30  }
0xbe: {  	s0 =	sor.u32 s3, s0;
	s1 =	sshll.u32 s1, $0x11  }
0xbf: {  	s0 =	sor.u32 s1, s0  }
0xc0: {  	s0 =	sadd.s32 $0x8F2B, s0  }
0xc1: {  	[sflag:s0] =	ssyncadd.remote.s32 $0x1  }
0xc2: {  	_ =	sfence.sel $0xFFFF  }
0xc3: {  	[dreg:$0x0] =	wrdreg $0xFFFFFFFF;
	(pc) =	sbr.abs _section_cstart, $3  }
0xc4: {  	[dreg:$0x1] =	wrdreg $0xFFFFFFFF  }
0xc5: {  	_ =	task.clear_ibuf [dreg:s9], $0x2FFFF;
	_ =	strace $0x9FFFFFFF  }
0xc6: {  	(tm) =	ssettm $0x7FFFFFFF  }
0xc7: {  	_ =	shalt  }
tec
execute0_lowered:
.L_overlay_start_1:
0x0: {  	(tag) =	ssettag $0x1  }
0x1: {  	s1 =	rddreg [dreg:$0x0]  }
0x2: {  	s0 =	rddreg [dreg:$0x2]  }
0x3: {  	s4 =	rddreg [dreg:$0x3];
	s2 =	srdreg.scid  }
0x4: {  	s5 =	simm.s32 $0x0;
	s3 =	stileid.u32;
	s12 =	simm.s32 $0x5  }
0x5: {  	s13 =	simm.s32 $0x2780;
	s15 =	simm.s32 $0x1;
	s16 =	simm.s32 $0x3380  }
0x6: {  	s17 =	simm.s32 $0x800;
	s18 =	simm.s32 $0x320000;
	s19 =	simm.s32 $0x3B80  }
0x7: {  	s20 =	simm.s32 $0x2;
	s21 =	simm.s32 $0x8B80;
	s22 =	simm.s32 $0x3  }
0x8: {  	s23 =	simm.s32 $0x4;
	s24 =	simm.s32 $0x0;
	s2 =	sand.u32 $0x1, s2  }
0x9: {  	[smem:$0x7FF] =	sst s5;
	s3 =	sshll.u32 s3, $0xA;
	s0 =	sadd.s32 $0x400, s0  }
0xa: {  	s6 =	sshll.u32 s2, $0x9;
	_ =	strace $0x80000047;
	s2 =	ssub.s32 $0x2, s2  }
0xb: {  	[dreg:$0x5] =	wrdreg s0;
	s3 =	sor.u32 s6, s3;
	s31 =	sshrl.u32 s2, $0x1  }
0xc: {  	s7 =	sadd.s32 s1, s3;
	s0 =	ssub.s32 s2, s31;
	s8 =	sadd.s32 s4, s3  }
0xd: {  	s11 =	sor.u32 $0x100, s3;
	s9 =	sadd.s32 $0x4000, s7;
	s10 =	smax.u32 s0, $0x1  }
.LBB2_1:
0xe: {  	s0 =	rddreg [dreg:$0x1]  }
0xf: {  	[tilespmem:s5], [sflag:$0x5] =	stream.linear.gather [hbm4b:s0+s5], $0x2780, $0x38;
	[tilespmem:$0xDB80] =	vst v63  }
0x10: {  	_ =	swait.ge [sflag:s12], $0x2780  }
0x11: {  	[sflag:s12] =	ssyncset.done $0x0  }
0x12: {  	s30 =	rddreg [dreg:$0x5];
	[sflag:s12] =	ssyncadd.s32 $0xFFFFD880  }
0x13: {  	[tilespmem:s13], [sflag:$0x5] =	stream.linear.gather [hbm4b:s30+s5], $0x400, $0x38;
	[tilespmem:$0xDB80] =	vst v63  }
0x14: {  	_ =	swait.ge [sflag:s12], $0x400  }
0x15: {  	[sflag:s12] =	ssyncset.done $0x0  }
0x16: {  	s31 =	simm.s32 $0x2B80;
	s25 =	simm.s32 $0x0;
	[sflag:s12] =	ssyncadd.s32 $0xFFFFFC00  }
0x17: {  	[tilespmem:s31], [sflag:$0x1] =	stream.linear.gather [hbm4b:s7+s5], $0x800, $0x38;
	[tilespmem:$0xDB80] =	vst v63  }
.LBB2_2:
0x18: {  	_ =	swait.ge [sflag:s15], $0x800;
	s28 =	sshll.u32 s25, $0xE  }
0x19: {  	[sflag:s15] =	ssyncset.done $0x0;
	s26 =	sor.u32 s11, s28  }
0x1a: {  	[sflag:s15] =	ssyncadd.s32 $0xFFFFF800;
	s0 =	sadd.s32 s1, s26  }
0x1b: {  	[tilespmem:s16], [sflag:$0x2] =	stream.linear.gather [hbm4b:s0+s5], $0x800, $0x38;
	[tilespmem:$0xDB80] =	vst v63  }
0x1c: {  	p1 =	seq.s32 s25, $0x0;
	p0 =	por $0x0, $0x0;
	s0 =	simm.s32 $0x1  }
0x1d: {  	s2 =	simm.s32 @!p1 $0x3;
	s0 =	simm.s32 @!p0 $0x0  }
0x1e: {  	_ =	swait.ge @!p1 [sflag:s2], $0x5000;
	s0 =	sshll.u32 s0, $0xA  }
0x1f: {  	[sflag:s2] =	ssyncset.done @!p1 $0x0;
	s0 =	sadd.s32 $0x0, s0  }
0x20: {  	[sflag:s2] =	ssyncadd.s32 @!p1 $0xFFFFB000;
	s14 =	sor.u32 $0x70, s0  }
0x21: {  	s3 =	sor.u32 $0x40, s0;
	v0 =	vld [tilespmem:s14+$0x2B80]  }
0x22: {  	s6 =	sor.u32 $0x50, s0;
	v1 =	vld [tilespmem:s3+$0x2B80]  }
0x23: {  	v2 =	vld [tilespmem:s6+$0x2B80]  }
0x24: {  	s0 =	sor.u32 $0x60, s0  }
0x25: {  	v3 =	vld [tilespmem:s0+$0x2B80];
	_ =	sdelay $0x3  }
0x26: {  	v0 =	vld.idx.msk [tilespmem:v0+s5+$0x0], $0xffff  }
0x27: {  	v1 =	vld.idx.msk [tilespmem:v1+s5+$0x0], $0xffff  }
0x28: {  	v2 =	vld.idx.msk [tilespmem:v2+s5+$0x0], $0xffff;
	_ =	sdelay $0x1  }
0x29: {  	v3 =	vld.idx.msk [tilespmem:v3+s5+$0x0], $0xffff  }
0x2a: {  	vm0 =	vgt.s32 v0, $0x0  }
0x2b: {  	vm9 =	vgt.s32 v1, $0x0;
	v0 =	vnsel vm0, $0x0, v0  }
0x2c: {  	vm10 =	vgt.s32 v2, $0x0;
	v1 =	vnsel vm9, $0x0, v1;
	v0 =	vmin.u32 v0, $0x63  }
0x2d: {  	v2 =	vnsel vm10, $0x0, v2;
	v1 =	vmin.u32 v1, $0x63;
	v0 =	vmul.u32 $0xA, v0  }
0x2e: {  	vm11 =	vgt.s32 v3, $0x0;
	v4 =	vmin.u32 v2, $0x63;
	v2 =	vmul.u32 $0xA, v1  }
0x2f: {  	v3 =	vnsel vm11, $0x0, v3;
	v1 =	vmul.u32 $0xA, v4  }
0x30: {  	v3 =	vmin.u32 v3, $0x63  }
0x31: {  	v5 =	vmul.u32 $0xA, v3;
	_ =	sdelay $0x1  }
0x32: {  	v3 =	vld.idx.msk [tilespmem:v0+s13+$0x0], $0xffff  }
0x33: {  	v4 =	vor.u32 $0x1, v0;
	v6 =	vld.idx.msk [tilespmem:v2+s13+$0x0], $0xffff  }
0x34: {  	v7 =	vor.u32 $0x1, v2;
	v8 =	vld.idx.msk [tilespmem:v1+s13+$0x0], $0xffff  }
0x35: {  	v9 =	vor.u32 $0x1, v1  }
0x36: {  	v10 =	vld.idx.msk [tilespmem:v5+s13+$0x0], $0xffff  }
0x37: {  	v11 =	vor.u32 $0x1, v5;
	[tilespmem:s14+$0x3B80] =	vst v3  }
0x38: {  	s30 =	simm.s32 $0x0;
	[tilespmem:s3+$0x3B80] =	vst v6;
	v3 =	vld.idx.msk [tilespmem:v4+s13+$0x0], $0xffff  }
0x39: {  	[tilespmem:s6+$0x3B80] =	vst v8;
	s6 =	sand.u32 $0x400, s30;
	s14 =	sand.u32 $0x380, s30;
	v6 =	vld.idx.msk [tilespmem:v7+s13+$0x0], $0xffff  }
0x3a: {  	v4 =	vadd.s32 $0x2, v0;
	v7 =	vld.idx.msk [tilespmem:v9+s13+$0x0], $0xffff;
	s29 =	sor.u32 s14, s6  }
0x3b: {  	[tilespmem:s0+$0x3B80] =	vst v10;
	v10 =	vld [tilespmem:s29+$0x2B80]  }
0x3c: {  	v8 =	vld.idx.msk [tilespmem:v11+s13+$0x0], $0xffff;
	v9 =	vadd.s32 $0x2, v2  }
0x3d: {  	v11 =	vadd.s32 $0x2, v5;
	v12 =	vld [tilespmem:s29+$0x2B90]  }
0x3e: {  	v13 =	vld [tilespmem:s29+$0x2BA0];
	[tilespmem:s29+$0x43F0] =	vst v3  }
0x3f: {  	v3 =	vadd.s32 $0x2, v1;
	[tilespmem:s29+$0x43C0] =	vst v6;
	v4 =	vld.idx.msk [tilespmem:v4+s13+$0x0], $0xffff  }
0x40: {  	v14 =	vadd.s32 $0x3, v0;
	v6 =	vld [tilespmem:s29+$0x2BB0];
	[tilespmem:s29+$0x43D0] =	vst v7  }
0x41: {  	[tilespmem:s29+$0x43E0] =	vst v8;
	v7 =	vld.idx.msk [tilespmem:v9+s13+$0x0], $0xffff  }
0x42: {  	v8 =	vld.idx.msk [tilespmem:v11+s13+$0x0], $0xffff  }
0x43: {  	v10 =	vld.idx.msk [tilespmem:v10+s5+$0x0], $0xffff  }
0x44: {  	v3 =	vld.idx.msk [tilespmem:v3+s13+$0x0], $0xffff;
	[tilespmem:s29+$0x4BF0] =	vst v4;
	v4 =	vadd.s32 $0x3, v2  }
0x45: {  	v9 =	vld.idx.msk [tilespmem:v14+s13+$0x0], $0xffff;
	v14 =	vadd.s32 $0x3, v1  }
0x46: {  	v15 =	vadd.s32 $0x3, v5;
	v12 =	vld.idx.msk [tilespmem:v12+s5+$0x0], $0xffff  }
0x47: {  	v11 =	vadd.s32 $0x4, v0;
	v13 =	vld.idx.msk [tilespmem:v13+s5+$0x0], $0xffff  }
0x48: {  	[tilespmem:s29+$0x4BC0] =	vst v7;
	v6 =	vld.idx.msk [tilespmem:v6+s5+$0x0], $0xffff  }
0x49: {  	[tilespmem:s29+$0x4BD0] =	vst v3;
	v4 =	vld.idx.msk [tilespmem:v4+s13+$0x0], $0xffff  }
0x4a: {  	[tilespmem:s29+$0x4BE0] =	vst v8;
	v8 =	vld.idx.msk [tilespmem:v14+s13+$0x0], $0xffff  }
0x4b: {  	v16 =	vadd.s32 $0x4, v5;
	v7 =	vadd.s32 $0x4, v2;
	[tilespmem:s29+$0x53F0] =	vst v9;
	v14 =	vld.idx.msk [tilespmem:v15+s13+$0x0], $0xffff  }
0x4c: {  	vm12 =	vgt.s32 v10, $0x0;
	vm13 =	vgt.s32 v12, $0x0;
	vm14 =	vgt.s32 v13, $0x0;
	v3 =	vld.idx.msk [tilespmem:v11+s13+$0x0], $0xffff  }
0x4d: {  	v10 =	vnsel vm12, $0x0, v10;
	v12 =	vnsel vm13, $0x0, v12;
	v11 =	vadd.s32 $0x5, v0  }
0x4e: {  	v13 =	vnsel vm14, $0x0, v13;
	v10 =	vmin.u32 v10, $0x63;
	v9 =	vadd.s32 $0x4, v1;
	[tilespmem:s29+$0x53C0] =	vst v4  }
0x4f: {  	v12 =	vmin.u32 v12, $0x63;
	v24 =	vmul.u32 $0xA, v10;
	vm15 =	vgt.s32 v6, $0x0;
	[tilespmem:s29+$0x53D0] =	vst v8  }
0x50: {  	v10 =	vmin.u32 v13, $0x63;
	v26 =	vmul.u32 $0xA, v12;
	v4 =	vnsel vm15, $0x0, v6;
	v6 =	vld.idx.msk [tilespmem:v7+s13+$0x0], $0xffff;
	[tilespmem:s29+$0x53E0] =	vst v14  }
0x51: {  	v31 =	vmul.u32 $0xA, v10;
	[tilespmem:s29+$0x5BF0] =	vst v3;
	v8 =	vld.idx.msk [tilespmem:v16+s13+$0x0], $0xffff  }
0x52: {  	v3 =	vmin.u32 v4, $0x63;
	v4 =	vld.idx.msk [tilespmem:v11+s13+$0x0], $0xffff  }
0x53: {  	v35 =	vmul.u32 $0xA, v3;
	v3 =	vld.idx.msk [tilespmem:v9+s13+$0x0], $0xffff;
	v9 =	vadd.s32 $0x5, v2  }
0x54: {  	v7 =	vadd.s32 $0x6, v0  }
0x55: {  	v10 =	vld.idx.msk [tilespmem:v24+s13+$0x0], $0xffff;
	v11 =	vadd.s32 $0x5, v1  }
0x56: {  	v13 =	vor.u32 $0x1, v24;
	v12 =	vld.idx.msk [tilespmem:v26+s13+$0x0], $0xffff;
	[tilespmem:s29+$0x5BC0] =	vst v6  }
0x57: {  	v14 =	vld.idx.msk [tilespmem:v31+s13+$0x0], $0xffff;
	[tilespmem:s29+$0x5BE0] =	vst v8  }
0x58: {  	[tilespmem:s29+$0x63F0] =	vst v4;
	v4 =	vor.u32 $0x1, v26;
	v8 =	vld.idx.msk [tilespmem:v9+s13+$0x0], $0xffff  }
0x59: {  	[tilespmem:s29+$0x5BD0] =	vst v3;
	v6 =	vld.idx.msk [tilespmem:v7+s13+$0x0], $0xffff;
	v7 =	vor.u32 $0x1, v31  }
0x5a: {  	[tilespmem:s29+$0x3B80] =	vst v10;
	v10 =	vld.idx.msk [tilespmem:v11+s13+$0x0], $0xffff;
	v11 =	vadd.s32 $0x5, v5  }
0x5b: {  	[tilespmem:s29+$0x3B90] =	vst v12;
	v12 =	vadd.s32 $0x6, v2;
	v13 =	vld.idx.msk [tilespmem:v13+s13+$0x0], $0xffff  }
0x5c: {  	v9 =	vadd.s32 $0x7, v0;
	v3 =	vld.idx.msk [tilespmem:v35+s13+$0x0], $0xffff  }
0x5d: {  	v15 =	vor.u32 $0x1, v35;
	[tilespmem:s29+$0x3BA0] =	vst v14;
	v4 =	vld.idx.msk [tilespmem:v4+s13+$0x0], $0xffff  }
0x5e: {  	v14 =	vadd.s32 $0x2, v24;
	[tilespmem:s29+$0x63C0] =	vst v8;
	v7 =	vld.idx.msk [tilespmem:v7+s13+$0x0], $0xffff  }
0x5f: {  	[tilespmem:s29+$0x6BF0] =	vst v6;
	v6 =	vadd.s32 $0x2, v26;
	v8 =	vld.idx.msk [tilespmem:v11+s13+$0x0], $0xffff  }
0x60: {  	[tilespmem:s29+$0x4380] =	vst v13;
	v13 =	vadd.s32 $0x6, v1;
	v12 =	vld.idx.msk [tilespmem:v12+s13+$0x0], $0xffff  }
0x61: {  	[tilespmem:s29+$0x3BB0] =	vst v3;
	v3 =	vld.idx.msk [tilespmem:v9+s13+$0x0], $0xffff;
	v9 =	vadd.s32 $0x2, v31  }
0x62: {  	[tilespmem:s29+$0x63D0] =	vst v10;
	v10 =	vadd.s32 $0x8, v0;
	v15 =	vld.idx.msk [tilespmem:v15+s13+$0x0], $0xffff  }
0x63: {  	v11 =	vadd.s32 $0x2, v35;
	v14 =	vld.idx.msk [tilespmem:v14+s13+$0x0], $0xffff;
	[tilespmem:s29+$0x4390] =	vst v4  }
0x64: {  	v4 =	vadd.s32 $0x6, v5;
	v6 =	vld.idx.msk [tilespmem:v6+s13+$0x0], $0xffff;
	[tilespmem:s29+$0x43A0] =	vst v7  }
0x65: {  	v7 =	vadd.s32 $0x3, v24;
	[tilespmem:s29+$0x63E0] =	vst v8;
	v8 =	vld.idx.msk [tilespmem:v13+s13+$0x0], $0xffff  }
0x66: {  	v17 =	vadd.s32 $0x3, v26;
	v16 =	vld.idx.msk [tilespmem:v9+s13+$0x0], $0xffff;
	[tilespmem:s29+$0x73F0] =	vst v3  }
0x67: {  	v18 =	vadd.s32 $0x7, v2;
	v38 =	vadd.s32 $0x7, v1;
	v39 =	vadd.s32 $0x4, v26;
	[tilespmem:s29+$0x43B0] =	vst v15;
	v15 =	vld.idx.msk [tilespmem:v10+s13+$0x0], $0xffff  }
0x68: {  	v30 =	vadd.s32 $0x5, v24;
	v33 =	vadd.s32 $0x5, v26;
	v19 =	vadd.s32 $0x3, v31;
	[tilespmem:s29+$0x6BC0] =	vst v12;
	v11 =	vld.idx.msk [tilespmem:v11+s13+$0x0], $0xffff  }
0x69: {  	v28 =	vadd.s32 $0x6, v24;
	v12 =	vadd.s32 $0x9, v0;
	v13 =	vadd.s32 $0x3, v35;
	[tilespmem:s29+$0x4B80] =	vst v14;
	v14 =	vld.idx.msk [tilespmem:v4+s13+$0x0], $0xffff  }
0x6a: {  	v0 =	vadd.s32 $0x9, v5;
	v10 =	vadd.s32 $0x7, v5;
	v4 =	vadd.s32 $0x8, v5;
	v5 =	vld.idx.msk [tilespmem:v7+s13+$0x0], $0xffff;
	[tilespmem:s29+$0x4B90] =	vst v6  }
0x6b: {  	v27 =	vadd.s32 $0x6, v26;
	v21 =	vadd.s32 $0x7, v24;
	v20 =	vadd.s32 $0x7, v26;
	[tilespmem:s29+$0x6BD0] =	vst v8;
	v40 =	vld.idx.msk [tilespmem:v17+s13+$0x0], $0xffff  }
0x6c: {  	v37 =	vadd.s32 $0x4, v31;
	v34 =	vadd.s32 $0x5, v31;
	v6 =	vadd.s32 $0x4, v24;
	[tilespmem:s29+$0x4BA0] =	vst v16;
	v17 =	vld.idx.msk [tilespmem:v18+s13+$0x0], $0xffff  }
0x6d: {  	v25 =	vadd.s32 $0x6, v31;
	v36 =	vadd.s32 $0x4, v35;
	v32 =	vadd.s32 $0x5, v35;
	v41 =	vld.idx.msk [tilespmem:v19+s13+$0x0], $0xffff;
	[tilespmem:s29+$0x7BF0] =	vst v15  }
0x6e: {  	v29 =	vadd.s32 $0x6, v35;
	v9 =	vadd.s32 $0x8, v2;
	v3 =	vadd.s32 $0x8, v1;
	[tilespmem:s29+$0x4BB0] =	vst v11;
	v22 =	vld.idx.msk [tilespmem:v12+s13+$0x0], $0xffff  }
0x6f: {  	v2 =	vadd.s32 $0x9, v2;
	v1 =	vadd.s32 $0x9, v1;
	v8 =	vadd.s32 $0x9, v24;
	v23 =	vld.idx.msk [tilespmem:v13+s13+$0x0], $0xffff;
	[tilespmem:s29+$0x6BE0] =	vst v14  }
0x70: {  	v7 =	vadd.s32 $0x9, v26;
	v18 =	vadd.s32 $0x7, v35;
	v19 =	vadd.s32 $0x7, v31;
	v14 =	vld.idx.msk [tilespmem:v38+s13+$0x0], $0xffff;
	[tilespmem:s29+$0x5380] =	vst v5  }
0x71: {  	v15 =	vadd.s32 $0x8, v24;
	v11 =	vadd.s32 $0x8, v35;
	v13 =	vadd.s32 $0x8, v26;
	v16 =	vld.idx.msk [tilespmem:v6+s13+$0x0], $0xffff;
	[tilespmem:s29+$0x5390] =	vst v40  }
0x72: {  	s31 =	simm.s32 $0x0;
	p0 =	por !p0, !p0;
	s0 =	simm.s32 $0x0;
	v12 =	vadd.s32 $0x8, v31;
	v5 =	vadd.s32 $0x9, v35;
	v6 =	vadd.s32 $0x9, v31;
	v24 =	vld.idx.msk [tilespmem:v39+s13+$0x0], $0xffff;
	[tilespmem:s29+$0x53A0] =	vst v41  }
.LBB2_3:
0x73: {  	s2 =	simm.s32 $0x1  }
0x74: {  	s31 =	sadd.s32 $0x8, s31;
	v26 =	vld.idx.msk [tilespmem:v37+s13+$0x0], $0xffff;
	[tilespmem:s29+$0x83F0] =	vst v22;
	s2 =	simm.s32 @!p0 $0x0  }
0x75: {  	s30 =	sadd.s32 $0x40, s30;
	p1 =	slt.u32 s31, $0x78;
	s2 =	sshll.u32 s2, $0xA;
	[tilespmem:s29+$0x53B0] =	vst v23;
	v10 =	vld.idx.msk [tilespmem:v10+s13+$0x0], $0xffff  }
0x76: {  	s2 =	sadd.s32 s2, s30;
	v22 =	vld.idx.msk [tilespmem:v36+s13+$0x0], $0xffff;
	[tilespmem:s29+$0x73C0] =	vst v17  }
0x77: {  	s14 =	sor.u32 $0x40, s2;
	s3 =	sor.u32 $0x50, s2;
	s6 =	sor.u32 $0x70, s2;
	v9 =	vld.idx.msk [tilespmem:v9+s13+$0x0], $0xffff;
	[tilespmem:s29+$0x73D0] =	vst v14  }
0x78: {  	s2 =	sor.u32 $0x60, s2;
	v14 =	vld [tilespmem:s6+$0x2B80];
	[tilespmem:s29+$0x5B80] =	vst v16  }
0x79: {  	v16 =	vld [tilespmem:s14+$0x2B80];
	[tilespmem:s29+$0x5B90] =	vst v24  }
0x7a: {  	v17 =	vld [tilespmem:s3+$0x2B80];
	[tilespmem:s29+$0x5BA0] =	vst v26  }
0x7b: {  	v23 =	vld [tilespmem:s2+$0x2B80];
	[tilespmem:s29+$0x73E0] =	vst v10  }
0x7c: {  	v10 =	vld.idx.msk [tilespmem:v30+s13+$0x0], $0xffff;
	[tilespmem:s29+$0x5BB0] =	vst v22  }
0x7d: {  	v22 =	vld.idx.msk [tilespmem:v33+s13+$0x0], $0xffff;
	[tilespmem:s29+$0x7BC0] =	vst v9  }
0x7e: {  	v9 =	vld.idx.msk [tilespmem:v34+s13+$0x0], $0xffff  }
0x7f: {  	v24 =	vld.idx.msk [tilespmem:v32+s13+$0x0], $0xffff  }
0x80: {  	v14 =	vld.idx.msk [tilespmem:v14+s5+$0x0], $0xffff  }
0x81: {  	v16 =	vld.idx.msk [tilespmem:v16+s5+$0x0], $0xffff  }
0x82: {  	v17 =	vld.idx.msk [tilespmem:v17+s5+$0x0], $0xffff;
	[tilespmem:s29+$0x6380] =	vst v10  }
0x83: {  	v10 =	vld.idx.msk [tilespmem:v23+s5+$0x0], $0xffff;
	[tilespmem:s29+$0x6390] =	vst v22  }
0x84: {  	v22 =	vld.idx.msk [tilespmem:v28+s13+$0x0], $0xffff;
	[tilespmem:s29+$0x63A0] =	vst v9  }
0x85: {  	v9 =	vld.idx.msk [tilespmem:v27+s13+$0x0], $0xffff;
	[tilespmem:s29+$0x63B0] =	vst v24  }
0x86: {  	vm0 =	vgt.s32 v14, $0x0;
	v23 =	vld.idx.msk [tilespmem:v25+s13+$0x0], $0xffff  }
0x87: {  	vm1 =	vgt.s32 v16, $0x0;
	v14 =	vnsel vm0, $0x0, v14;
	v24 =	vld.idx.msk [tilespmem:v29+s13+$0x0], $0xffff  }
0x88: {  	v16 =	vnsel vm1, $0x0, v16;
	vm0 =	vgt.s32 v17, $0x0;
	v14 =	vmin.u32 v14, $0x63;
	v3 =	vld.idx.msk [tilespmem:v3+s13+$0x0], $0xffff  }
0x89: {  	v17 =	vnsel vm0, $0x0, v17;
	vm0 =	vgt.s32 v10, $0x0;
	v14 =	vmul.u32 $0xA, v14;
	v4 =	vld.idx.msk [tilespmem:v4+s13+$0x0], $0xffff  }
0x8a: {  	v16 =	vmin.u32 v16, $0x63;
	v17 =	vmin.u32 v17, $0x63;
	v10 =	vnsel vm0, $0x0, v10;
	[tilespmem:s29+$0x6B80] =	vst v22;
	v2 =	vld.idx.msk [tilespmem:v2+s13+$0x0], $0xffff  }
0x8b: {  	v25 =	vmul.u32 $0xA, v16;
	v27 =	vmul.u32 $0xA, v17;
	v10 =	vmin.u32 v10, $0x63;
	v16 =	vld.idx.msk [tilespmem:v21+s13+$0x0], $0xffff;
	[tilespmem:s29+$0x6B90] =	vst v9  }
0x8c: {  	v21 =	vmul.u32 $0xA, v10;
	v9 =	vld.idx.msk [tilespmem:v20+s13+$0x0], $0xffff;
	[tilespmem:s29+$0x6BA0] =	vst v23  }
0x8d: {  	v28 =	vor.u32 $0x1, v25;
	v29 =	vadd.s32 $0x2, v25;
	v30 =	vor.u32 $0x1, v27;
	v10 =	vld.idx.msk [tilespmem:v19+s13+$0x0], $0xffff;
	[tilespmem:s29+$0x6BB0] =	vst v24  }
0x8e: {  	v32 =	vadd.s32 $0x2, v27;
	v33 =	vor.u32 $0x1, v21;
	v34 =	vadd.s32 $0x2, v21;
	v36 =	vld.idx.msk [tilespmem:v18+s13+$0x0], $0xffff;
	[tilespmem:s29+$0x7BD0] =	vst v3  }
0x8f: {  	v37 =	vadd.s32 $0x3, v25;
	v38 =	vadd.s32 $0x3, v27;
	v39 =	vadd.s32 $0x3, v21;
	v40 =	vld.idx.msk [tilespmem:v14+s13+$0x0], $0xffff;
	[tilespmem:s29+$0x7BE0] =	vst v4  }
0x90: {  	v20 =	vadd.s32 $0x4, v25;
	v19 =	vadd.s32 $0x4, v27;
	v18 =	vadd.s32 $0x4, v21;
	[tilespmem:s29+$0x83C0] =	vst v2;
	v41 =	vld.idx.msk [tilespmem:v1+s13+$0x0], $0xffff  }
0x91: {  	v43 =	vor.u32 $0x1, v14;
	v35 =	vadd.s32 $0x5, v25;
	v31 =	vadd.s32 $0x5, v27;
	v42 =	vld.idx.msk [tilespmem:v25+s13+$0x0], $0xffff;
	[tilespmem:s29+$0x7380] =	vst v16  }
0x92: {  	v22 =	vadd.s32 $0x6, v27;
	v24 =	vadd.s32 $0x6, v25;
	v26 =	vadd.s32 $0x5, v21;
	v44 =	vld.idx.msk [tilespmem:v27+s13+$0x0], $0xffff;
	[tilespmem:s29+$0x7390] =	vst v9  }
0x93: {  	v17 =	vadd.s32 $0x7, v25;
	v23 =	vadd.s32 $0x6, v21;
	v16 =	vadd.s32 $0x7, v27;
	v45 =	vld.idx.msk [tilespmem:v21+s13+$0x0], $0xffff;
	[tilespmem:s29+$0x73A0] =	vst v10  }
0x94: {  	v3 =	vadd.s32 $0x8, v27;
	v9 =	vadd.s32 $0x8, v25;
	v10 =	vadd.s32 $0x7, v21;
	v15 =	vld.idx.msk [tilespmem:v15+s13+$0x0], $0xffff;
	[tilespmem:s29+$0x73B0] =	vst v36  }
0x95: {  	v4 =	vadd.s32 $0x8, v21;
	v2 =	vadd.s32 $0x9, v25;
	v1 =	vadd.s32 $0x9, v27;
	[tilespmem:s6+$0x3B80] =	vst v40;
	v13 =	vld.idx.msk [tilespmem:v13+s13+$0x0], $0xffff  }
0x96: {  	v21 =	vadd.s32 $0x9, v21;
	v25 =	vld.idx.msk [tilespmem:v43+s13+$0x0], $0xffff;
	[tilespmem:s29+$0x83D0] =	vst v41  }
0x97: {  	[tilespmem:s14+$0x3B80] =	vst v42;
	v12 =	vld.idx.msk [tilespmem:v12+s13+$0x0], $0xffff  }
0x98: {  	v27 =	vld.idx.msk [tilespmem:v28+s13+$0x0], $0xffff;
	[tilespmem:s3+$0x3B80] =	vst v44;
	v28 =	vadd.s32 $0x2, v14  }
0x99: {  	s0 =	sadd.s32 $0x400, s0;
	v30 =	vld.idx.msk [tilespmem:v30+s13+$0x0], $0xffff;
	[tilespmem:s2+$0x3B80] =	vst v45  }
0x9a: {  	s3 =	sand.u32 $0x380, s30;
	s2 =	sand.u32 $0x400, s0;
	v33 =	vld.idx.msk [tilespmem:v33+s13+$0x0], $0xffff;
	[tilespmem:s29+$0x7B80] =	vst v15  }
0x9b: {  	s3 =	sor.u32 s3, s2;
	[tilespmem:s29+$0x7B90] =	vst v13;
	v11 =	vld.idx.msk [tilespmem:v11+s13+$0x0], $0xffff  }
0x9c: {  	v13 =	vld [tilespmem:s3+$0x2B80];
	[tilespmem:s3+$0x43F0] =	vst v25  }
0x9d: {  	v15 =	vld.idx.msk [tilespmem:v28+s13+$0x0], $0xffff;
	[tilespmem:s29+$0x7BA0] =	vst v12  }
0x9e: {  	v12 =	vld [tilespmem:s3+$0x2B90];
	[tilespmem:s3+$0x43C0] =	vst v27  }
0x9f: {  	v27 =	vadd.s32 $0x3, v14;
	v25 =	vld [tilespmem:s3+$0x2BA0];
	[tilespmem:s3+$0x43D0] =	vst v30  }
0xa0: {  	v28 =	vld [tilespmem:s3+$0x2BB0];
	[tilespmem:s3+$0x43E0] =	vst v33  }
0xa1: {  	v29 =	vld.idx.msk [tilespmem:v29+s13+$0x0], $0xffff;
	[tilespmem:s29+$0x7BB0] =	vst v11  }
0xa2: {  	v11 =	vld.idx.msk [tilespmem:v32+s13+$0x0], $0xffff  }
0xa3: {  	v30 =	vld.idx.msk [tilespmem:v34+s13+$0x0], $0xffff;
	[tilespmem:s3+$0x4BF0] =	vst v15  }
0xa4: {  	v15 =	vld.idx.msk [tilespmem:v27+s13+$0x0], $0xffff  }
0xa5: {  	v13 =	vld.idx.msk [tilespmem:v13+s5+$0x0], $0xffff  }
0xa6: {  	v27 =	vadd.s32 $0x4, v14;
	v12 =	vld.idx.msk [tilespmem:v12+s5+$0x0], $0xffff  }
0xa7: {  	v25 =	vld.idx.msk [tilespmem:v25+s5+$0x0], $0xffff;
	[tilespmem:s3+$0x4BC0] =	vst v29  }
0xa8: {  	v28 =	vld.idx.msk [tilespmem:v28+s5+$0x0], $0xffff;
	[tilespmem:s3+$0x4BD0] =	vst v11  }
0xa9: {  	v11 =	vld.idx.msk [tilespmem:v37+s13+$0x0], $0xffff;
	[tilespmem:s3+$0x4BE0] =	vst v30  }
0xaa: {  	v29 =	vld.idx.msk [tilespmem:v38+s13+$0x0], $0xffff;
	[tilespmem:s3+$0x53F0] =	vst v15  }
0xab: {  	vm0 =	vgt.s32 v13, $0x0;
	v15 =	vld.idx.msk [tilespmem:v27+s13+$0x0], $0xffff  }
0xac: {  	v13 =	vnsel vm0, $0x0, v13;
	vm0 =	vgt.s32 v12, $0x0;
	v27 =	vld.idx.msk [tilespmem:v39+s13+$0x0], $0xffff  }
0xad: {  	v30 =	vadd.s32 $0x5, v14;
	v12 =	vnsel vm0, $0x0, v12;
	vm0 =	vgt.s32 v25, $0x0;
	v32 =	vld.idx.msk [tilespmem:v0+s13+$0x0], $0xffff;
	v0 =	vmovc v21  }
0xae: {  	v13 =	vmin.u32 v13, $0x63;
	v21 =	vnsel vm0, $0x0, v25;
	vm0 =	vgt.s32 v28, $0x0;
	v8 =	vld.idx.msk [tilespmem:v8+s13+$0x0], $0xffff  }
0xaf: {  	v12 =	vmin.u32 v12, $0x63;
	v21 =	vmin.u32 v21, $0x63;
	v25 =	vnsel vm0, $0x0, v28;
	[tilespmem:s3+$0x53C0] =	vst v11;
	v7 =	vld.idx.msk [tilespmem:v7+s13+$0x0], $0xffff  }
0xb0: {  	v38 =	vmul.u32 $0xA, v12;
	v11 =	vmul.u32 $0xA, v13;
	v12 =	vmin.u32 v25, $0x63;
	v13 =	vld.idx.msk [tilespmem:v20+s13+$0x0], $0xffff;
	[tilespmem:s3+$0x53D0] =	vst v29  }
0xb1: {  	v39 =	vmul.u32 $0xA, v21;
	v40 =	vmul.u32 $0xA, v12;
	v12 =	vld.idx.msk [tilespmem:v19+s13+$0x0], $0xffff;
	[tilespmem:s3+$0x5BF0] =	vst v15  }
0xb2: {  	v43 =	vor.u32 $0x1, v38;
	v41 =	vor.u32 $0x1, v11;
	v42 =	vadd.s32 $0x2, v11;
	[tilespmem:s3+$0x53E0] =	vst v27;
	v15 =	vld.idx.msk [tilespmem:v30+s13+$0x0], $0xffff  }
0xb3: {  	v44 =	vadd.s32 $0x2, v38;
	v45 =	vor.u32 $0x1, v39;
	v46 =	vor.u32 $0x1, v40;
	v18 =	vld.idx.msk [tilespmem:v18+s13+$0x0], $0xffff;
	[tilespmem:s29+$0x83E0] =	vst v32  }
0xb4: {  	v47 =	vadd.s32 $0x2, v39;
	v19 =	vadd.s32 $0x6, v14;
	v48 =	vadd.s32 $0x2, v40;
	[tilespmem:s29+$0x8380] =	vst v8;
	v6 =	vld.idx.msk [tilespmem:v6+s13+$0x0], $0xffff  }
0xb5: {  	v50 =	vadd.s32 $0x3, v38;
	v49 =	vadd.s32 $0x3, v11;
	v51 =	vadd.s32 $0x3, v39;
	[tilespmem:s29+$0x8390] =	vst v7;
	v5 =	vld.idx.msk [tilespmem:v5+s13+$0x0], $0xffff  }
0xb6: {  	v53 =	vadd.s32 $0x4, v38;
	v52 =	vadd.s32 $0x4, v11;
	v54 =	vadd.s32 $0x3, v40;
	v7 =	vld.idx.msk [tilespmem:v11+s13+$0x0], $0xffff;
	[tilespmem:s3+$0x5BC0] =	vst v13  }
0xb7: {  	v37 =	vadd.s32 $0x4, v39;
	v30 =	vadd.s32 $0x5, v11;
	v36 =	vadd.s32 $0x4, v40;
	v55 =	vld.idx.msk [tilespmem:v38+s13+$0x0], $0xffff;
	[tilespmem:s3+$0x5BD0] =	vst v12  }
0xb8: {  	v33 =	vadd.s32 $0x5, v38;
	v34 =	vadd.s32 $0x5, v39;
	v32 =	vadd.s32 $0x5, v40;
	v56 =	vld.idx.msk [tilespmem:v39+s13+$0x0], $0xffff;
	[tilespmem:s3+$0x63F0] =	vst v15  }
0xb9: {  	v28 =	vadd.s32 $0x6, v11;
	v25 =	vadd.s32 $0x6, v39;
	v27 =	vadd.s32 $0x6, v38;
	[tilespmem:s3+$0x5BE0] =	vst v18;
	v57 =	vld.idx.msk [tilespmem:v19+s13+$0x0], $0xffff  }
0xba: {  	v20 =	vadd.s32 $0x7, v38;
	v21 =	vadd.s32 $0x7, v11;
	v29 =	vadd.s32 $0x6, v40;
	v58 =	vld.idx.msk [tilespmem:v40+s13+$0x0], $0xffff;
	[tilespmem:s29+$0x83A0] =	vst v6  }
0xbb: {  	v59 =	vadd.s32 $0x7, v14;
	v19 =	vadd.s32 $0x7, v39;
	v18 =	vadd.s32 $0x7, v40;
	v35 =	vld.idx.msk [tilespmem:v35+s13+$0x0], $0xffff;
	[tilespmem:s29+$0x83B0] =	vst v5;
	s29 =	smov.u32 s3  }
0xbc: {  	v13 =	vadd.s32 $0x8, v38;
	v12 =	vadd.s32 $0x8, v39;
	v15 =	vadd.s32 $0x8, v11;
	[tilespmem:s29+$0x3B80] =	vst v7;
	v31 =	vld.idx.msk [tilespmem:v31+s13+$0x0], $0xffff  }
0xbd: {  	v8 =	vadd.s32 $0x9, v11;
	v11 =	vadd.s32 $0x8, v40;
	v7 =	vadd.s32 $0x9, v38;
	v41 =	vld.idx.msk [tilespmem:v41+s13+$0x0], $0xffff;
	[tilespmem:s29+$0x3B90] =	vst v55  }
0xbe: {  	v6 =	vadd.s32 $0x9, v39;
	v5 =	vadd.s32 $0x9, v40;
	v38 =	vld.idx.msk [tilespmem:v43+s13+$0x0], $0xffff;
	[tilespmem:s29+$0x3BA0] =	vst v56  }
0xbf: {  	v39 =	vld.idx.msk [tilespmem:v45+s13+$0x0], $0xffff;
	[tilespmem:s29+$0x6BF0] =	vst v57  }
0xc0: {  	[tilespmem:s29+$0x3BB0] =	vst v58;
	v40 =	vld.idx.msk [tilespmem:v59+s13+$0x0], $0xffff  }
0xc1: {  	v43 =	vld.idx.msk [tilespmem:v46+s13+$0x0], $0xffff;
	[tilespmem:s29+$0x63C0] =	vst v35  }
0xc2: {  	[tilespmem:s29+$0x63D0] =	vst v31;
	v26 =	vld.idx.msk [tilespmem:v26+s13+$0x0], $0xffff;
	v31 =	vadd.s32 $0x8, v14  }
0xc3: {  	[tilespmem:s29+$0x4380] =	vst v41;
	v24 =	vld.idx.msk [tilespmem:v24+s13+$0x0], $0xffff  }
0xc4: {  	v35 =	vld.idx.msk [tilespmem:v42+s13+$0x0], $0xffff;
	[tilespmem:s29+$0x4390] =	vst v38  }
0xc5: {  	v38 =	vld.idx.msk [tilespmem:v44+s13+$0x0], $0xffff;
	[tilespmem:s29+$0x43A0] =	vst v39  }
0xc6: {  	v39 =	vld.idx.msk [tilespmem:v47+s13+$0x0], $0xffff;
	[tilespmem:s29+$0x73F0] =	vst v40  }
0xc7: {  	[tilespmem:s29+$0x43B0] =	vst v43;
	v31 =	vld.idx.msk [tilespmem:v31+s13+$0x0], $0xffff  }
0xc8: {  	v40 =	vld.idx.msk [tilespmem:v48+s13+$0x0], $0xffff;
	[tilespmem:s29+$0x63E0] =	vst v26  }
0xc9: {  	v14 =	vadd.s32 $0x9, v14;
	[tilespmem:s29+$0x6BC0] =	vst v24;
	v24 =	vld.idx.msk [tilespmem:v22+s13+$0x0], $0xffff  }
0xca: {  	[tilespmem:s29+$0x4B80] =	vst v35;
	v26 =	vld.idx.msk [tilespmem:v23+s13+$0x0], $0xffff  }
0xcb: {  	v35 =	vld.idx.msk [tilespmem:v49+s13+$0x0], $0xffff;
	[tilespmem:s29+$0x4B90] =	vst v38  }
0xcc: {  	v38 =	vld.idx.msk [tilespmem:v50+s13+$0x0], $0xffff;
	[tilespmem:s29+$0x4BA0] =	vst v39  }
0xcd: {  	v39 =	vld.idx.msk [tilespmem:v51+s13+$0x0], $0xffff;
	[tilespmem:s29+$0x7BF0] =	vst v31  }
0xce: {  	[tilespmem:s29+$0x4BB0] =	vst v40;
	v22 =	vld.idx.msk [tilespmem:v14+s13+$0x0], $0xffff  }
.Ltmp0:
0xcf: {  	v23 =	vld.idx.msk [tilespmem:v54+s13+$0x0], $0xffff;
	[tilespmem:s29+$0x6BD0] =	vst v24;
	(pc) =	sbr.rel @p1 .LBB2_3-.Ltmp0, $4  }
0xd0: {  	v17 =	vld.idx.msk [tilespmem:v17+s13+$0x0], $0xffff;
	[tilespmem:s29+$0x6BE0] =	vst v26  }
0xd1: {  	[tilespmem:s29+$0x5380] =	vst v35;
	v14 =	vld.idx.msk [tilespmem:v16+s13+$0x0], $0xffff  }
0xd2: {  	v16 =	vld.idx.msk [tilespmem:v52+s13+$0x0], $0xffff;
	[tilespmem:s29+$0x5390] =	vst v38  }
0xd3: {  	p0 =	por !p0, !p0;
	v24 =	vld.idx.msk [tilespmem:v53+s13+$0x0], $0xffff;
	[tilespmem:s29+$0x53A0] =	vst v39  }
0xd4: {  	_ =	sdelay $0x3  }
0xd5: {  	v26 =	vld.idx.msk [tilespmem:v37+s13+$0x0], $0xffff;
	[tilespmem:s29+$0x53B0] =	vst v23  }
0xd6: {  	v23 =	vld.idx.msk [tilespmem:v36+s13+$0x0], $0xffff;
	_ =	sdelay $0x1  }
0xd7: {  	[tilespmem:s29+$0x5B80] =	vst v16  }
0xd8: {  	[tilespmem:s29+$0x5B90] =	vst v24;
	v16 =	vld.idx.msk [tilespmem:v30+s13+$0x0], $0xffff  }
0xd9: {  	[tilespmem:s29+$0x5BA0] =	vst v26;
	v24 =	vld.idx.msk [tilespmem:v33+s13+$0x0], $0xffff  }
0xda: {  	[tilespmem:s29+$0x5BB0] =	vst v23;
	v23 =	vld.idx.msk [tilespmem:v34+s13+$0x0], $0xffff  }
0xdb: {  	[tilespmem:s29+$0x83F0] =	vst v22;
	v22 =	vld.idx.msk [tilespmem:v32+s13+$0x0], $0xffff  }
0xdc: {  	[tilespmem:s29+$0x73C0] =	vst v17  }
0xdd: {  	v10 =	vld.idx.msk [tilespmem:v10+s13+$0x0], $0xffff;
	[tilespmem:s29+$0x6380] =	vst v16  }
0xde: {  	[tilespmem:s29+$0x6390] =	vst v24;
	v16 =	vld.idx.msk [tilespmem:v28+s13+$0x0], $0xffff  }
0xdf: {  	[tilespmem:s29+$0x63A0] =	vst v23;
	v17 =	vld.idx.msk [tilespmem:v27+s13+$0x0], $0xffff  }
0xe0: {  	[tilespmem:s29+$0x63B0] =	vst v22;
	v22 =	vld.idx.msk [tilespmem:v25+s13+$0x0], $0xffff  }
0xe1: {  	[tilespmem:s29+$0x73D0] =	vst v14;
	v14 =	vld.idx.msk [tilespmem:v29+s13+$0x0], $0xffff  }
0xe2: {  	v9 =	vld.idx.msk [tilespmem:v9+s13+$0x0], $0xffff;
	[tilespmem:s29+$0x73E0] =	vst v10  }
0xe3: {  	v3 =	vld.idx.msk [tilespmem:v3+s13+$0x0], $0xffff;
	[tilespmem:s29+$0x6B80] =	vst v16  }
0xe4: {  	v10 =	vld.idx.msk [tilespmem:v21+s13+$0x0], $0xffff;
	[tilespmem:s29+$0x6B90] =	vst v17  }
0xe5: {  	v16 =	vld.idx.msk [tilespmem:v20+s13+$0x0], $0xffff;
	[tilespmem:s29+$0x6BA0] =	vst v22  }
0xe6: {  	v17 =	vld.idx.msk [tilespmem:v19+s13+$0x0], $0xffff;
	[tilespmem:s29+$0x6BB0] =	vst v14  }
0xe7: {  	[tilespmem:s29+$0x7BC0] =	vst v9;
	v9 =	vld.idx.msk [tilespmem:v18+s13+$0x0], $0xffff  }
0xe8: {  	v4 =	vld.idx.msk [tilespmem:v4+s13+$0x0], $0xffff;
	[tilespmem:s29+$0x7BD0] =	vst v3  }
0xe9: {  	v2 =	vld.idx.msk [tilespmem:v2+s13+$0x0], $0xffff;
	[tilespmem:s29+$0x7380] =	vst v10  }
0xea: {  	[tilespmem:s29+$0x7390] =	vst v16;
	v3 =	vld.idx.msk [tilespmem:v15+s13+$0x0], $0xffff  }
0xeb: {  	[tilespmem:s29+$0x73A0] =	vst v17;
	v10 =	vld.idx.msk [tilespmem:v13+s13+$0x0], $0xffff  }
0xec: {  	[tilespmem:s29+$0x73B0] =	vst v9;
	v9 =	vld.idx.msk [tilespmem:v12+s13+$0x0], $0xffff  }
0xed: {  	[tilespmem:s29+$0x7BE0] =	vst v4;
	v4 =	vld.idx.msk [tilespmem:v11+s13+$0x0], $0xffff  }
0xee: {  	v1 =	vld.idx.msk [tilespmem:v1+s13+$0x0], $0xffff;
	[tilespmem:s29+$0x83C0] =	vst v2  }
0xef: {  	v0 =	vld.idx.msk [tilespmem:v0+s13+$0x0], $0xffff;
	[tilespmem:s29+$0x7B80] =	vst v3  }
0xf0: {  	[tilespmem:s29+$0x7B90] =	vst v10;
	v2 =	vld.idx.msk [tilespmem:v8+s13+$0x0], $0xffff  }
0xf1: {  	[tilespmem:s29+$0x7BA0] =	vst v9;
	v3 =	vld.idx.msk [tilespmem:v7+s13+$0x0], $0xffff  }
0xf2: {  	[tilespmem:s29+$0x7BB0] =	vst v4;
	v4 =	vld.idx.msk [tilespmem:v6+s13+$0x0], $0xffff  }
0xf3: {  	[tilespmem:s29+$0x83D0] =	vst v1;
	v1 =	vld.idx.msk [tilespmem:v5+s13+$0x0], $0xffff  }
0xf4: {  	[tilespmem:s29+$0x83E0] =	vst v0  }
0xf5: {  	[tilespmem:s29+$0x8380] =	vst v2  }
0xf6: {  	[tilespmem:s29+$0x8390] =	vst v3  }
0xf7: {  	[tilespmem:s29+$0x83A0] =	vst v4  }
0xf8: {  	s0 =	sadd.s32 s28, s8;
	[tilespmem:s29+$0x83B0] =	vst v1  }
0xf9: {  	[hbm4b:s0+s17] =	stream.strided.scatter [tilespmem:s19], [sflag:$0x3], $0x5000, s18, s17, $0x38;
	[tilespmem:$0xDB80] =	vst v63  }
0xfa: {  	p0 =	seq.s32 s25, $0x18;
	_ =	swait.ge [sflag:s20], $0x800  }
0xfb: {  	p1 =	seq.s32 @!p0 s25, $0x0;
	s2 =	simm.s32 @!p0 $0x0;
	[sflag:s20] =	ssyncset.done $0x0  }
0xfc: {  	s3 =	simm.s32 @!p0 $0x2B80;
	s0 =	sadd.s32 @!p0 s28, s9;
	[sflag:s20] =	ssyncadd.s32 $0xFFFFF800  }
0xfd: {  	[tilespmem:s3], [sflag:$0x1] =	stream.linear.gather @!p0 [hbm4b:s0+s2], $0x800, $0x38;
	[tilespmem:$0xDB80] =	vst v63  }
0xfe: {  	p0 =	por p0, !p1  }
0xff: {  	s14 =	simm.s32 $0x0;
	_ =	swait.ge @p0 [sflag:s23], $0x5000  }
0x100: {  	s31 =	sand.u32 $0x400, s14;
	s0 =	sand.u32 $0x380, s14;
	[sflag:s23] =	ssyncset.done @p0 $0x0  }
0x101: {  	s28 =	sor.u32 s0, s31;
	[sflag:s23] =	ssyncadd.s32 @p0 $0xFFFFB000  }
0x102: {  	v0 =	vld [tilespmem:s28+$0x33F0]  }
0x103: {  	v1 =	vld [tilespmem:s28+$0x3380]  }
0x104: {  	v2 =	vld [tilespmem:s28+$0x3390]  }
0x105: {  	v3 =	vld [tilespmem:s28+$0x33A0]  }
0x106: {  	v7 =	vld [tilespmem:s28+$0x33E0]  }
0x107: {  	v4 =	vld [tilespmem:s28+$0x33B0]  }
0x108: {  	v5 =	vld [tilespmem:s28+$0x33C0]  }
0x109: {  	v6 =	vld [tilespmem:s28+$0x33D0]  }
0x10a: {  	v0 =	vld.idx.msk [tilespmem:v0+s5+$0x0], $0xffff  }
0x10b: {  	v1 =	vld.idx.msk [tilespmem:v1+s5+$0x0], $0xffff  }
0x10c: {  	v2 =	vld.idx.msk [tilespmem:v2+s5+$0x0], $0xffff  }
0x10d: {  	v3 =	vld.idx.msk [tilespmem:v3+s5+$0x0], $0xffff  }
0x10e: {  	v7 =	vld.idx.msk [tilespmem:v7+s5+$0x0], $0xffff  }
0x10f: {  	v8 =	vld.idx.msk [tilespmem:v4+s5+$0x0], $0xffff  }
0x110: {  	v5 =	vld.idx.msk [tilespmem:v5+s5+$0x0], $0xffff;
	vm0 =	vgt.s32 v0, $0x0  }
0x111: {  	v0 =	vnsel vm0, $0x0, v0  }
0x112: {  	v6 =	vld.idx.msk [tilespmem:v6+s5+$0x0], $0xffff;
	vm10 =	vgt.s32 v1, $0x0;
	v0 =	vmin.u32 v0, $0x63  }
0x113: {  	vm1 =	vgt.s32 v2, $0x0;
	vm15 =	vgt.s32 v7, $0x0;
	v4 =	vmul.u32 $0xA, v0  }
0x114: {  	vm11 =	vgt.s32 v3, $0x0;
	vm12 =	vgt.s32 v8, $0x0;
	v7 =	vnsel vm15, $0x0, v7  }
0x115: {  	vm13 =	vgt.s32 v5, $0x0;
	v7 =	vmin.u32 v7, $0x63;
	v0 =	vnsel vm10, $0x0, v1  }
0x116: {  	v1 =	vnsel vm1, $0x0, v2;
	v16 =	vmul.u32 $0xA, v7;
	v0 =	vmin.u32 v0, $0x63  }
0x117: {  	vm14 =	vgt.s32 v6, $0x0;
	v1 =	vmin.u32 v1, $0x63;
	v0 =	vmul.u32 $0xA, v0  }
0x118: {  	v5 =	vnsel vm13, $0x0, v5;
	v2 =	vnsel vm11, $0x0, v3;
	v1 =	vmul.u32 $0xA, v1  }
0x119: {  	v6 =	vnsel vm14, $0x0, v6;
	v3 =	vnsel vm12, $0x0, v8;
	v2 =	vmin.u32 v2, $0x63;
	v8 =	vld.idx.msk [tilespmem:v4+s13+$0x0], $0xffff  }
0x11a: {  	v3 =	vmin.u32 v3, $0x63;
	v9 =	vor.u32 $0x1, v4;
	v2 =	vmul.u32 $0xA, v2  }
0x11b: {  	v10 =	vmin.u32 v5, $0x63;
	v6 =	vmin.u32 v6, $0x63;
	v5 =	vmul.u32 $0xA, v3  }
0x11c: {  	v15 =	vmul.u32 $0xA, v6;
	v19 =	vld.idx.msk [tilespmem:v16+s13+$0x0], $0xffff  }
0x11d: {  	v3 =	vmul.u32 $0xA, v10;
	v6 =	vld.idx.msk [tilespmem:v0+s13+$0x0], $0xffff  }
0x11e: {  	[tilespmem:s28+$0x8BF0] =	vst v8;
	v8 =	vld.idx.msk [tilespmem:v1+s13+$0x0], $0xffff  }
0x11f: {  	v11 =	vor.u32 $0x1, v0;
	v7 =	vld.idx.msk [tilespmem:v9+s13+$0x0], $0xffff  }
0x120: {  	v13 =	vor.u32 $0x1, v1;
	v9 =	vld.idx.msk [tilespmem:v2+s13+$0x0], $0xffff  }
0x121: {  	v10 =	vadd.s32 $0x2, v4;
	v12 =	vld.idx.msk [tilespmem:v5+s13+$0x0], $0xffff;
	[tilespmem:s28+$0x8BE0] =	vst v19  }
0x122: {  	v18 =	vor.u32 $0x1, v5;
	[tilespmem:s28+$0x8B80] =	vst v6;
	v6 =	vld.idx.msk [tilespmem:v15+s13+$0x0], $0xffff  }
0x123: {  	v17 =	vor.u32 $0x1, v2;
	v14 =	vld.idx.msk [tilespmem:v3+s13+$0x0], $0xffff;
	[tilespmem:s28+$0x8B90] =	vst v8  }
0x124: {  	v11 =	vld.idx.msk [tilespmem:v11+s13+$0x0], $0xffff;
	[tilespmem:s28+$0x93F0] =	vst v7;
	v7 =	vor.u32 $0x1, v3  }
0x125: {  	[tilespmem:s28+$0x8BA0] =	vst v9;
	v9 =	vld.idx.msk [tilespmem:v13+s13+$0x0], $0xffff;
	v13 =	vor.u32 $0x1, v16  }
0x126: {  	[tilespmem:s28+$0x8BB0] =	vst v12;
	v8 =	vld.idx.msk [tilespmem:v10+s13+$0x0], $0xffff;
	v10 =	vor.u32 $0x1, v15  }
0x127: {  	v18 =	vld.idx.msk [tilespmem:v18+s13+$0x0], $0xffff;
	[tilespmem:s28+$0x8BD0] =	vst v6;
	v6 =	vadd.s32 $0x2, v1  }
0x128: {  	v12 =	vadd.s32 $0x3, v4;
	[tilespmem:s28+$0x8BC0] =	vst v14;
	v17 =	vld.idx.msk [tilespmem:v17+s13+$0x0], $0xffff  }
0x129: {  	v14 =	vadd.s32 $0x2, v0;
	[tilespmem:s28+$0x9380] =	vst v11;
	v7 =	vld.idx.msk [tilespmem:v7+s13+$0x0], $0xffff  }
0x12a: {  	v19 =	vadd.s32 $0x2, v2;
	[tilespmem:s28+$0x9390] =	vst v9;
	v9 =	vld.idx.msk [tilespmem:v13+s13+$0x0], $0xffff  }
0x12b: {  	v10 =	vld.idx.msk [tilespmem:v10+s13+$0x0], $0xffff;
	[tilespmem:s28+$0x9BF0] =	vst v8;
	v8 =	vadd.s32 $0x2, v5  }
0x12c: {  	[tilespmem:s28+$0x93B0] =	vst v18;
	v18 =	vadd.s32 $0x2, v16;
	v6 =	vld.idx.msk [tilespmem:v6+s13+$0x0], $0xffff  }
0x12d: {  	[tilespmem:s28+$0x93A0] =	vst v17;
	v11 =	vld.idx.msk [tilespmem:v12+s13+$0x0], $0xffff;
	v12 =	vadd.s32 $0x2, v3  }
0x12e: {  	v13 =	vld.idx.msk [tilespmem:v14+s13+$0x0], $0xffff;
	v14 =	vadd.s32 $0x4, v4;
	[tilespmem:s28+$0x93C0] =	vst v7  }
0x12f: {  	v17 =	vadd.s32 $0x2, v15;
	v19 =	vld.idx.msk [tilespmem:v19+s13+$0x0], $0xffff;
	[tilespmem:s28+$0x93E0] =	vst v9  }
0x130: {  	v7 =	vadd.s32 $0x3, v0;
	v8 =	vld.idx.msk [tilespmem:v8+s13+$0x0], $0xffff;
	[tilespmem:s28+$0x93D0] =	vst v10  }
0x131: {  	v10 =	vadd.s32 $0x3, v1;
	[tilespmem:s28+$0x9B90] =	vst v6;
	v6 =	vld.idx.msk [tilespmem:v18+s13+$0x0], $0xffff  }
0x132: {  	v12 =	vld.idx.msk [tilespmem:v12+s13+$0x0], $0xffff;
	[tilespmem:s28+$0xA3F0] =	vst v11;
	v11 =	vadd.s32 $0x3, v2  }
0x133: {  	v9 =	vld.idx.msk [tilespmem:v14+s13+$0x0], $0xffff;
	v14 =	vadd.s32 $0x3, v5  }
0x134: {  	[tilespmem:s28+$0x9B80] =	vst v13;
	v18 =	vadd.s32 $0x3, v3;
	v13 =	vld.idx.msk [tilespmem:v17+s13+$0x0], $0xffff  }
0x135: {  	v17 =	vadd.s32 $0x5, v4;
	[tilespmem:s28+$0x9BA0] =	vst v19;
	v7 =	vld.idx.msk [tilespmem:v7+s13+$0x0], $0xffff  }
0x136: {  	v19 =	vadd.s32 $0x3, v15;
	v10 =	vld.idx.msk [tilespmem:v10+s13+$0x0], $0xffff;
	[tilespmem:s28+$0x9BB0] =	vst v8  }
0x137: {  	v8 =	vadd.s32 $0x3, v16;
	[tilespmem:s28+$0x9BE0] =	vst v6;
	v11 =	vld.idx.msk [tilespmem:v11+s13+$0x0], $0xffff  }
0x138: {  	[tilespmem:s28+$0x9BC0] =	vst v12;
	v12 =	vadd.s32 $0x4, v0;
	v14 =	vld.idx.msk [tilespmem:v14+s13+$0x0], $0xffff  }
0x139: {  	[tilespmem:s28+$0xABF0] =	vst v9;
	v9 =	vadd.s32 $0x4, v1;
	v18 =	vld.idx.msk [tilespmem:v18+s13+$0x0], $0xffff  }
0x13a: {  	[tilespmem:s28+$0x9BD0] =	vst v13;
	v13 =	vld.idx.msk [tilespmem:v17+s13+$0x0], $0xffff;
	v17 =	vadd.s32 $0x4, v2  }
0x13b: {  	v6 =	vld.idx.msk [tilespmem:v19+s13+$0x0], $0xffff;
	v19 =	vadd.s32 $0x4, v5;
	[tilespmem:s28+$0xA380] =	vst v7  }
0x13c: {  	v7 =	vadd.s32 $0x6, v4;
	[tilespmem:s28+$0xA390] =	vst v10;
	v8 =	vld.idx.msk [tilespmem:v8+s13+$0x0], $0xffff  }
0x13d: {  	v10 =	vadd.s32 $0x4, v3;
	v12 =	vld.idx.msk [tilespmem:v12+s13+$0x0], $0xffff;
	[tilespmem:s28+$0xA3A0] =	vst v11  }
0x13e: {  	v11 =	vadd.s32 $0x4, v15;
	v9 =	vld.idx.msk [tilespmem:v9+s13+$0x0], $0xffff;
	[tilespmem:s28+$0xA3B0] =	vst v14  }
0x13f: {  	v14 =	vadd.s32 $0x4, v16;
	[tilespmem:s28+$0xA3C0] =	vst v18;
	v17 =	vld.idx.msk [tilespmem:v17+s13+$0x0], $0xffff  }
0x140: {  	[tilespmem:s28+$0xB3F0] =	vst v13;
	v13 =	vadd.s32 $0x5, v0;
	v19 =	vld.idx.msk [tilespmem:v19+s13+$0x0], $0xffff  }
0x141: {  	v18 =	vadd.s32 $0x5, v1;
	[tilespmem:s28+$0xA3D0] =	vst v6;
	v7 =	vld.idx.msk [tilespmem:v7+s13+$0x0], $0xffff  }
0x142: {  	v6 =	vld.idx.msk [tilespmem:v10+s13+$0x0], $0xffff;
	[tilespmem:s28+$0xA3E0] =	vst v8;
	v8 =	vadd.s32 $0x7, v4  }
0x143: {  	v10 =	vadd.s32 $0x5, v2;
	[tilespmem:s28+$0xAB80] =	vst v12;
	v11 =	vld.idx.msk [tilespmem:v11+s13+$0x0], $0xffff  }
0x144: {  	v12 =	vadd.s32 $0x5, v5;
	[tilespmem:s28+$0xAB90] =	vst v9;
	v9 =	vld.idx.msk [tilespmem:v14+s13+$0x0], $0xffff  }
0x145: {  	v14 =	vadd.s32 $0x5, v3;
	v13 =	vld.idx.msk [tilespmem:v13+s13+$0x0], $0xffff;
	[tilespmem:s28+$0xABA0] =	vst v17  }
0x146: {  	v17 =	vadd.s32 $0x5, v15;
	v18 =	vld.idx.msk [tilespmem:v18+s13+$0x0], $0xffff;
	[tilespmem:s28+$0xBBF0] =	vst v7  }
0x147: {  	[tilespmem:s28+$0xABB0] =	vst v19;
	v7 =	vadd.s32 $0x5, v16;
	v8 =	vld.idx.msk [tilespmem:v8+s13+$0x0], $0xffff  }
0x148: {  	v19 =	vadd.s32 $0x6, v0;
	v10 =	vld.idx.msk [tilespmem:v10+s13+$0x0], $0xffff;
	[tilespmem:s28+$0xABC0] =	vst v6  }
0x149: {  	v6 =	vld.idx.msk [tilespmem:v12+s13+$0x0], $0xffff;
	[tilespmem:s28+$0xABD0] =	vst v11;
	v11 =	vadd.s32 $0x8, v4  }
0x14a: {  	v12 =	vadd.s32 $0x6, v1;
	v14 =	vld.idx.msk [tilespmem:v14+s13+$0x0], $0xffff;
	[tilespmem:s28+$0xABE0] =	vst v9  }
0x14b: {  	v9 =	vadd.s32 $0x6, v2;
	[tilespmem:s28+$0xB380] =	vst v13;
	v13 =	vld.idx.msk [tilespmem:v17+s13+$0x0], $0xffff  }
0x14c: {  	v17 =	vadd.s32 $0x6, v5;
	[tilespmem:s28+$0xB390] =	vst v18;
	v7 =	vld.idx.msk [tilespmem:v7+s13+$0x0], $0xffff  }
0x14d: {  	v18 =	vadd.s32 $0x6, v3;
	v19 =	vld.idx.msk [tilespmem:v19+s13+$0x0], $0xffff;
	[tilespmem:s28+$0xC3F0] =	vst v8  }
0x14e: {  	v8 =	vadd.s32 $0x6, v15;
	[tilespmem:s28+$0xB3A0] =	vst v10;
	v10 =	vld.idx.msk [tilespmem:v11+s13+$0x0], $0xffff  }
0x14f: {  	v11 =	vadd.s32 $0x6, v16;
	v12 =	vld.idx.msk [tilespmem:v12+s13+$0x0], $0xffff;
	[tilespmem:s28+$0xB3B0] =	vst v6  }
0x150: {  	v4 =	vadd.s32 $0x9, v4;
	v6 =	vld.idx.msk [tilespmem:v9+s13+$0x0], $0xffff;
	[tilespmem:s28+$0xB3C0] =	vst v14  }
0x151: {  	v9 =	vadd.s32 $0x7, v0;
	v14 =	vld.idx.msk [tilespmem:v17+s13+$0x0], $0xffff;
	[tilespmem:s28+$0xB3D0] =	vst v13  }
0x152: {  	v13 =	vadd.s32 $0x7, v1;
	v18 =	vld.idx.msk [tilespmem:v18+s13+$0x0], $0xffff;
	[tilespmem:s28+$0xB3E0] =	vst v7  }
0x153: {  	v7 =	vadd.s32 $0x7, v2;
	[tilespmem:s28+$0xBB80] =	vst v19;
	v8 =	vld.idx.msk [tilespmem:v8+s13+$0x0], $0xffff  }
0x154: {  	v20 =	vadd.s32 $0x7, v5;
	v21 =	vld.idx.msk [tilespmem:v11+s13+$0x0], $0xffff;
	[tilespmem:s28+$0xCBF0] =	vst v10  }
0x155: {  	v23 =	vadd.s32 $0x7, v15;
	[tilespmem:s28+$0xBB90] =	vst v12;
	v22 =	vld.idx.msk [tilespmem:v4+s13+$0x0], $0xffff  }
0x156: {  	v10 =	vadd.s32 $0x7, v3;
	v9 =	vld.idx.msk [tilespmem:v9+s13+$0x0], $0xffff;
	[tilespmem:s28+$0xBBA0] =	vst v6  }
0x157: {  	v25 =	vadd.s32 $0x7, v16;
	v17 =	vld.idx.msk [tilespmem:v13+s13+$0x0], $0xffff;
	[tilespmem:s28+$0xBBB0] =	vst v14  }
0x158: {  	v24 =	vadd.s32 $0x9, v16;
	v51 =	vadd.s32 $0x8, v3;
	[tilespmem:s28+$0xBBC0] =	vst v18;
	v19 =	vld.idx.msk [tilespmem:v7+s13+$0x0], $0xffff  }
0x159: {  	v12 =	vadd.s32 $0x8, v2;
	v11 =	vadd.s32 $0x8, v5;
	v3 =	vadd.s32 $0x9, v3;
	v18 =	vld.idx.msk [tilespmem:v20+s13+$0x0], $0xffff;
	[tilespmem:s28+$0xBBD0] =	vst v8  }
0x15a: {  	v4 =	vadd.s32 $0x9, v2;
	v2 =	vadd.s32 $0x9, v5;
	v14 =	vadd.s32 $0x8, v0;
	[tilespmem:s28+$0xBBE0] =	vst v21;
	v5 =	vld.idx.msk [tilespmem:v23+s13+$0x0], $0xffff  }
0x15b: {  	v6 =	vadd.s32 $0x9, v1;
	v13 =	vadd.s32 $0x8, v1;
	v8 =	vadd.s32 $0x8, v15;
	v20 =	vld.idx.msk [tilespmem:v10+s13+$0x0], $0xffff;
	[tilespmem:s28+$0xD3F0] =	vst v22  }
0x15c: {  	s30 =	simm.s32 $0x40;
	s29 =	simm.s32 $0x400;
	s0 =	simm.s32 $0x0;
	v1 =	vadd.s32 $0x9, v15;
	v7 =	vadd.s32 $0x9, v0;
	v10 =	vadd.s32 $0x8, v16;
	[tilespmem:s28+$0xC380] =	vst v9;
	v15 =	vld.idx.msk [tilespmem:v25+s13+$0x0], $0xffff  }
.LBB2_5:
0x15d: {  	_ =	sdelay $0x1  }
0x15e: {  	s2 =	sand.u32 $0x400, s29;
	s3 =	sand.u32 $0x380, s30;
	v14 =	vld.idx.msk [tilespmem:v14+s13+$0x0], $0xffff;
	[tilespmem:s28+$0xC3D0] =	vst v5  }
0x15f: {  	s31 =	sor.u32 s3, s2;
	v8 =	vld.idx.msk [tilespmem:v8+s13+$0x0], $0xffff  }
0x160: {  	v16 =	vld [tilespmem:s31+$0x33F0]  }
0x161: {  	[tilespmem:s28+$0xC390] =	vst v17;
	v17 =	vld [tilespmem:s31+$0x3380]  }
0x162: {  	[tilespmem:s28+$0xC3A0] =	vst v19;
	v13 =	vld.idx.msk [tilespmem:v13+s13+$0x0], $0xffff  }
0x163: {  	[tilespmem:s28+$0xC3B0] =	vst v18;
	v18 =	vld [tilespmem:s31+$0x3390]  }
0x164: {  	[tilespmem:s28+$0xC3C0] =	vst v20;
	v5 =	vld [tilespmem:s31+$0x33A0]  }
0x165: {  	[tilespmem:s28+$0xC3E0] =	vst v15;
	v15 =	vld [tilespmem:s31+$0x33B0]  }
0x166: {  	[tilespmem:s28+$0xCB80] =	vst v14;
	v14 =	vld [tilespmem:s31+$0x33C0]  }
0x167: {  	v19 =	vld [tilespmem:s31+$0x33E0]  }
0x168: {  	v12 =	vld.idx.msk [tilespmem:v12+s13+$0x0], $0xffff  }
0x169: {  	v11 =	vld.idx.msk [tilespmem:v11+s13+$0x0], $0xffff  }
0x16a: {  	v9 =	vld.idx.msk [tilespmem:v51+s13+$0x0], $0xffff  }
0x16b: {  	[tilespmem:s28+$0xCB90] =	vst v13;
	v13 =	vld [tilespmem:s31+$0x33D0]  }
0x16c: {  	v16 =	vld.idx.msk [tilespmem:v16+s5+$0x0], $0xffff  }
0x16d: {  	v17 =	vld.idx.msk [tilespmem:v17+s5+$0x0], $0xffff  }
0x16e: {  	v18 =	vld.idx.msk [tilespmem:v18+s5+$0x0], $0xffff  }
0x16f: {  	v20 =	vld.idx.msk [tilespmem:v5+s5+$0x0], $0xffff  }
0x170: {  	v15 =	vld.idx.msk [tilespmem:v15+s5+$0x0], $0xffff  }
0x171: {  	v14 =	vld.idx.msk [tilespmem:v14+s5+$0x0], $0xffff  }
0x172: {  	v10 =	vld.idx.msk [tilespmem:v10+s13+$0x0], $0xffff;
	vm0 =	vgt.s32 v16, $0x0  }
0x173: {  	v21 =	vld.idx.msk [tilespmem:v6+s13+$0x0], $0xffff;
	v5 =	vnsel vm0, $0x0, v16;
	vm1 =	vgt.s32 v17, $0x0  }
0x174: {  	v19 =	vld.idx.msk [tilespmem:v19+s5+$0x0], $0xffff;
	[tilespmem:s28+$0xCBA0] =	vst v12;
	v5 =	vmin.u32 v5, $0x63;
	v16 =	vnsel vm1, $0x0, v17;
	vm10 =	vgt.s32 v18, $0x0  }
0x175: {  	v4 =	vld.idx.msk [tilespmem:v4+s13+$0x0], $0xffff;
	vm11 =	vgt.s32 v20, $0x0;
	v5 =	vmul.u32 $0xA, v5;
	vm12 =	vgt.s32 v15, $0x0  }
0x176: {  	[tilespmem:s28+$0xCBB0] =	vst v11;
	v13 =	vld.idx.msk [tilespmem:v13+s5+$0x0], $0xffff;
	vm13 =	vgt.s32 v14, $0x0;
	v17 =	vnsel vm10, $0x0, v18;
	v16 =	vmin.u32 v16, $0x63  }
0x177: {  	[tilespmem:s28+$0xCBC0] =	vst v9;
	v18 =	vnsel vm11, $0x0, v20;
	v20 =	vld.idx.msk [tilespmem:v7+s13+$0x0], $0xffff;
	v17 =	vmin.u32 v17, $0x63;
	v7 =	vmul.u32 $0xA, v16  }
0x178: {  	[tilespmem:s28+$0xCBE0] =	vst v10;
	v2 =	vld.idx.msk [tilespmem:v2+s13+$0x0], $0xffff;
	v15 =	vnsel vm12, $0x0, v15;
	v18 =	vmin.u32 v18, $0x63;
	v6 =	vmul.u32 $0xA, v17  }
0x179: {  	v3 =	vld.idx.msk [tilespmem:v3+s13+$0x0], $0xffff;
	[tilespmem:s28+$0xD390] =	vst v21;
	v14 =	vnsel vm13, $0x0, v14;
	v15 =	vmin.u32 v15, $0x63;
	v45 =	vmul.u32 $0xA, v18  }
0x17a: {  	v0 =	vld.idx.msk [tilespmem:v24+s13+$0x0], $0xffff;
	[tilespmem:s28+$0xCBD0] =	vst v8;
	v14 =	vmin.u32 v14, $0x63;
	v47 =	vmul.u32 $0xA, v15  }
0x17b: {  	vm15 =	vgt.s32 v19, $0x0;
	v1 =	vld.idx.msk [tilespmem:v1+s13+$0x0], $0xffff;
	[tilespmem:s28+$0xD3A0] =	vst v4;
	v39 =	vmul.u32 $0xA, v14  }
0x17c: {  	v19 =	vnsel vm15, $0x0, v19;
	vm14 =	vgt.s32 v13, $0x0;
	v16 =	vld.idx.msk [tilespmem:v5+s13+$0x0], $0xffff;
	[tilespmem:s28+$0xD380] =	vst v20  }
0x17d: {  	[tilespmem:s28+$0xD3B0] =	vst v2;
	v12 =	vmin.u32 v19, $0x63;
	v9 =	vor.u32 $0x1, v5;
	v13 =	vnsel vm14, $0x0, v13;
	v14 =	vld.idx.msk [tilespmem:v7+s13+$0x0], $0xffff  }
0x17e: {  	[tilespmem:s28+$0xD3C0] =	vst v3;
	v43 =	vmul.u32 $0xA, v12;
	v13 =	vmin.u32 v13, $0x63;
	v4 =	vld.idx.msk [tilespmem:v6+s13+$0x0], $0xffff  }
0x17f: {  	[tilespmem:s28+$0xD3E0] =	vst v0;
	v42 =	vmul.u32 $0xA, v13;
	v2 =	vld.idx.msk [tilespmem:v45+s13+$0x0], $0xffff  }
0x180: {  	[tilespmem:s28+$0xD3D0] =	vst v1;
	v3 =	vld.idx.msk [tilespmem:v47+s13+$0x0], $0xffff  }
0x181: {  	v8 =	vor.u32 $0x1, v7;
	s28 =	smov.u32 s31;
	v1 =	vld.idx.msk [tilespmem:v39+s13+$0x0], $0xffff;
	[tilespmem:s31+$0x8BF0] =	vst v16  }
0x182: {  	v11 =	vor.u32 $0x1, v6;
	v9 =	vld.idx.msk [tilespmem:v9+s13+$0x0], $0xffff;
	[tilespmem:s28+$0x8B80] =	vst v14  }
0x183: {  	v15 =	vadd.s32 $0x2, v5;
	[tilespmem:s28+$0x8B90] =	vst v4  }
0x184: {  	v10 =	vor.u32 $0x1, v47;
	v14 =	vld.idx.msk [tilespmem:v43+s13+$0x0], $0xffff;
	[tilespmem:s28+$0x8BA0] =	vst v2  }
0x185: {  	v12 =	vor.u32 $0x1, v45;
	v0 =	vld.idx.msk [tilespmem:v42+s13+$0x0], $0xffff;
	[tilespmem:s28+$0x8BB0] =	vst v3  }
0x186: {  	v13 =	vor.u32 $0x1, v39;
	v8 =	vld.idx.msk [tilespmem:v8+s13+$0x0], $0xffff;
	[tilespmem:s28+$0x8BC0] =	vst v1  }
0x187: {  	v54 =	vor.u32 $0x1, v43;
	v2 =	vld.idx.msk [tilespmem:v11+s13+$0x0], $0xffff;
	[tilespmem:s28+$0x93F0] =	vst v9;
	v9 =	vadd.s32 $0x7, v7  }
0x188: {  	v51 =	vor.u32 $0x1, v42;
	v4 =	vld.idx.msk [tilespmem:v15+s13+$0x0], $0xffff;
	[tilespmem:$0x1FFD0] =	vst v9  }
0x189: {  	v3 =	vadd.s32 $0x3, v5;
	v1 =	vld.idx.msk [tilespmem:v10+s13+$0x0], $0xffff;
	[tilespmem:s28+$0x8BE0] =	vst v14  }
0x18a: {  	v52 =	vadd.s32 $0x2, v7;
	v9 =	vld.idx.msk [tilespmem:v12+s13+$0x0], $0xffff;
	[tilespmem:s28+$0x8BD0] =	vst v0  }
0x18b: {  	v53 =	vadd.s32 $0x2, v6;
	v0 =	vld.idx.msk [tilespmem:v13+s13+$0x0], $0xffff;
	[tilespmem:s28+$0x9380] =	vst v8  }
0x18c: {  	v55 =	vadd.s32 $0x2, v45;
	v54 =	vld.idx.msk [tilespmem:v54+s13+$0x0], $0xffff;
	[tilespmem:s28+$0x9390] =	vst v2  }
0x18d: {  	v56 =	vadd.s32 $0x2, v47;
	v22 =	vld.idx.msk [tilespmem:v51+s13+$0x0], $0xffff;
	[tilespmem:s28+$0x9BF0] =	vst v4  }
0x18e: {  	v58 =	vadd.s32 $0x3, v7;
	v57 =	vadd.s32 $0x2, v39;
	[tilespmem:s28+$0x93B0] =	vst v1;
	v23 =	vld.idx.msk [tilespmem:v3+s13+$0x0], $0xffff  }
0x18f: {  	v60 =	vadd.s32 $0x2, v43;
	v49 =	vadd.s32 $0x3, v39;
	v52 =	vld.idx.msk [tilespmem:v52+s13+$0x0], $0xffff;
	[tilespmem:s28+$0x93A0] =	vst v9;
	v9 =	vadd.s32 $0x4, v5  }
0x190: {  	v36 =	vadd.s32 $0x4, v39;
	v32 =	vadd.s32 $0x5, v39;
	v17 =	vadd.s32 $0x6, v39;
	v53 =	vld.idx.msk [tilespmem:v53+s13+$0x0], $0xffff;
	[tilespmem:s28+$0x93C0] =	vst v0  }
0x191: {  	v20 =	vadd.s32 $0x7, v39;
	v51 =	vadd.s32 $0x8, v39;
	v3 =	vadd.s32 $0x9, v39;
	v39 =	vld.idx.msk [tilespmem:v55+s13+$0x0], $0xffff;
	[tilespmem:s28+$0x93E0] =	vst v54  }
0x192: {  	v61 =	vadd.s32 $0x3, v6;
	v0 =	vld.idx.msk [tilespmem:v56+s13+$0x0], $0xffff;
	[tilespmem:s28+$0x93D0] =	vst v22  }
0x193: {  	v59 =	vadd.s32 $0x2, v42;
	v22 =	vld.idx.msk [tilespmem:v57+s13+$0x0], $0xffff;
	[tilespmem:s28+$0xA3F0] =	vst v23  }
0x194: {  	v62 =	vadd.s32 $0x3, v45;
	[tilespmem:s28+$0x9B80] =	vst v52;
	v9 =	vld.idx.msk [tilespmem:v9+s13+$0x0], $0xffff  }
0x195: {  	v54 =	vadd.s32 $0x5, v5;
	[tilespmem:s28+$0x9B90] =	vst v53;
	v53 =	vld.idx.msk [tilespmem:v60+s13+$0x0], $0xffff  }
0x196: {  	v63 =	vadd.s32 $0x3, v47;
	v55 =	vld.idx.msk [tilespmem:v58+s13+$0x0], $0xffff;
	[tilespmem:s28+$0x9BA0] =	vst v39  }
0x197: {  	v50 =	vadd.s32 $0x3, v43;
	v56 =	vld.idx.msk [tilespmem:v61+s13+$0x0], $0xffff;
	[tilespmem:s28+$0x9BB0] =	vst v0  }
0x198: {  	v23 =	vld.idx.msk [tilespmem:v59+s13+$0x0], $0xffff;
	[tilespmem:s28+$0x9BC0] =	vst v22  }
0x199: {  	v48 =	vadd.s32 $0x3, v42;
	v0 =	vld.idx.msk [tilespmem:v62+s13+$0x0], $0xffff;
	[tilespmem:s28+$0xABF0] =	vst v9  }
0x19a: {  	v41 =	vadd.s32 $0x4, v6;
	[tilespmem:s28+$0x9BE0] =	vst v53;
	v9 =	vld.idx.msk [tilespmem:v54+s13+$0x0], $0xffff  }
0x19b: {  	v58 =	vadd.s32 $0x6, v5;
	v22 =	vld.idx.msk [tilespmem:v63+s13+$0x0], $0xffff;
	[tilespmem:s28+$0xA380] =	vst v55  }
0x19c: {  	v44 =	vadd.s32 $0x4, v7;
	[tilespmem:s28+$0xA390] =	vst v56;
	v59 =	vld.idx.msk [tilespmem:v50+s13+$0x0], $0xffff  }
0x19d: {  	v46 =	vadd.s32 $0x4, v45;
	[tilespmem:s28+$0x9BD0] =	vst v23;
	v23 =	vld.idx.msk [tilespmem:v49+s13+$0x0], $0xffff  }
0x19e: {  	v57 =	vld.idx.msk [tilespmem:v48+s13+$0x0], $0xffff;
	[tilespmem:s28+$0xA3A0] =	vst v0  }
0x19f: {  	v40 =	vadd.s32 $0x4, v42;
	v0 =	vld.idx.msk [tilespmem:v41+s13+$0x0], $0xffff;
	[tilespmem:s28+$0xB3F0] =	vst v9  }
0x1a0: {  	v37 =	vadd.s32 $0x4, v43;
	[tilespmem:s28+$0xA3B0] =	vst v22;
	v9 =	vld.idx.msk [tilespmem:v58+s13+$0x0], $0xffff  }
0x1a1: {  	v60 =	vadd.s32 $0x7, v5;
	v44 =	vld.idx.msk [tilespmem:v44+s13+$0x0], $0xffff;
	[tilespmem:s28+$0xA3E0] =	vst v59  }
0x1a2: {  	v34 =	vadd.s32 $0x5, v7;
	v22 =	vld.idx.msk [tilespmem:v46+s13+$0x0], $0xffff;
	[tilespmem:s28+$0xA3C0] =	vst v23  }
0x1a3: {  	v38 =	vadd.s32 $0x4, v47;
	[tilespmem:s28+$0xA3D0] =	vst v57;
	v36 =	vld.idx.msk [tilespmem:v36+s13+$0x0], $0xffff  }
0x1a4: {  	[tilespmem:s28+$0xAB90] =	vst v0;
	v61 =	vld.idx.msk [tilespmem:v40+s13+$0x0], $0xffff  }
0x1a5: {  	v30 =	vadd.s32 $0x5, v42;
	v0 =	vld.idx.msk [tilespmem:v37+s13+$0x0], $0xffff;
	[tilespmem:s28+$0xBBF0] =	vst v9  }
0x1a6: {  	v35 =	vadd.s32 $0x5, v6;
	[tilespmem:s28+$0xAB80] =	vst v44;
	v9 =	vld.idx.msk [tilespmem:v60+s13+$0x0], $0xffff  }
0x1a7: {  	v62 =	vadd.s32 $0x8, v5;
	v34 =	vld.idx.msk [tilespmem:v34+s13+$0x0], $0xffff;
	[tilespmem:s28+$0xABA0] =	vst v22  }
0x1a8: {  	v33 =	vadd.s32 $0x5, v45;
	v23 =	vld.idx.msk [tilespmem:v38+s13+$0x0], $0xffff;
	[tilespmem:s28+$0xABC0] =	vst v36  }
0x1a9: {  	v29 =	vadd.s32 $0x6, v7;
	[tilespmem:s28+$0xABD0] =	vst v61;
	v32 =	vld.idx.msk [tilespmem:v32+s13+$0x0], $0xffff  }
0x1aa: {  	[tilespmem:s28+$0xABE0] =	vst v0;
	v0 =	vld.idx.msk [tilespmem:v30+s13+$0x0], $0xffff  }
0x1ab: {  	v31 =	vadd.s32 $0x5, v47;
	v22 =	vld.idx.msk [tilespmem:v35+s13+$0x0], $0xffff;
	[tilespmem:s28+$0xC3F0] =	vst v9  }
0x1ac: {  	v28 =	vadd.s32 $0x5, v43;
	[tilespmem:s28+$0xB380] =	vst v34;
	v9 =	vld.idx.msk [tilespmem:v62+s13+$0x0], $0xffff  }
0x1ad: {  	v5 =	vadd.s32 $0x9, v5;
	[tilespmem:s28+$0xABB0] =	vst v23;
	v23 =	vld.idx.msk [tilespmem:v33+s13+$0x0], $0xffff  }
0x1ae: {  	v63 =	vld.idx.msk [tilespmem:v29+s13+$0x0], $0xffff;
	[tilespmem:s28+$0xB3C0] =	vst v32  }
0x1af: {  	[tilespmem:s28+$0xB3D0] =	vst v0;
	v0 =	vld.idx.msk [tilespmem:v17+s13+$0x0], $0xffff  }
0x1b0: {  	v27 =	vadd.s32 $0x6, v6;
	v31 =	vld.idx.msk [tilespmem:v31+s13+$0x0], $0xffff;
	[tilespmem:s28+$0xB390] =	vst v22  }
0x1b1: {  	v26 =	vadd.s32 $0x6, v42;
	v22 =	vld.idx.msk [tilespmem:v28+s13+$0x0], $0xffff;
	[tilespmem:s28+$0xCBF0] =	vst v9  }
0x1b2: {  	v10 =	vadd.s32 $0x7, v42;
	v9 =	vld.idx.msk [tilespmem:v5+s13+$0x0], $0xffff  }
0x1b3: {  	[tilespmem:$0x1FFE0] =	vst v10;
	v5 =	vld [tilespmem:$0x1FFD0]  }
0x1b4: {  	v15 =	vadd.s32 $0x6, v45;
	[tilespmem:s28+$0xBBC0] =	vst v0;
	v0 =	vld [tilespmem:$0x1FFE0]  }
0x1b5: {  	v25 =	vadd.s32 $0x6, v47;
	[tilespmem:s28+$0xB3A0] =	vst v23;
	v23 =	vld.idx.msk [tilespmem:v27+s13+$0x0], $0xffff  }
0x1b6: {  	[tilespmem:s28+$0xB3E0] =	vst v22;
	v22 =	vld.idx.msk [tilespmem:v26+s13+$0x0], $0xffff;
	_ =	sdelay $0x1  }
0x1b7: {  	[tilespmem:s28+$0xBB80] =	vst v63  }
0x1b8: {  	v16 =	vadd.s32 $0x6, v43;
	[tilespmem:s28+$0xB3B0] =	vst v31;
	v15 =	vld.idx.msk [tilespmem:v15+s13+$0x0], $0xffff  }
0x1b9: {  	v25 =	vld.idx.msk [tilespmem:v25+s13+$0x0], $0xffff;
	[tilespmem:s28+$0xBB90] =	vst v23  }
0x1ba: {  	v10 =	vadd.s32 $0x7, v43;
	[tilespmem:s28+$0xBBD0] =	vst v22;
	v23 =	vld.idx.msk [tilespmem:v5+s13+$0x0], $0xffff  }
0x1bb: {  	v21 =	vadd.s32 $0x7, v6;
	[tilespmem:$0x1FFF0] =	vst v10;
	v5 =	vld.idx.msk [tilespmem:v0+s13+$0x0], $0xffff  }
0x1bc: {  	v19 =	vadd.s32 $0x7, v45;
	v0 =	vld [tilespmem:$0x1FFF0]  }
0x1bd: {  	v18 =	vadd.s32 $0x7, v47;
	v16 =	vld.idx.msk [tilespmem:v16+s13+$0x0], $0xffff  }
0x1be: {  	s0 =	sadd.s32 $0x8, s0  }
0x1bf: {  	p0 =	slt.u32 s0, $0x78  }
.Ltmp1:
0x1c0: {  	[tilespmem:s28+$0xBBA0] =	vst v15;
	v17 =	vld.idx.msk [tilespmem:v21+s13+$0x0], $0xffff;
	(pc) =	sbr.rel @p0 .LBB2_5-.Ltmp1, $4  }
0x1c1: {  	v24 =	vadd.s32 $0x9, v43;
	v11 =	vadd.s32 $0x8, v47;
	v10 =	vadd.s32 $0x8, v43;
	[tilespmem:s28+$0xBBB0] =	vst v25;
	v19 =	vld.idx.msk [tilespmem:v19+s13+$0x0], $0xffff  }
0x1c2: {  	v14 =	vadd.s32 $0x8, v7;
	v12 =	vadd.s32 $0x8, v45;
	v7 =	vadd.s32 $0x9, v7;
	v18 =	vld.idx.msk [tilespmem:v18+s13+$0x0], $0xffff;
	[tilespmem:s28+$0xBBE0] =	vst v16  }
0x1c3: {  	v13 =	vadd.s32 $0x8, v6;
	v8 =	vadd.s32 $0x8, v42;
	v6 =	vadd.s32 $0x9, v6;
	v20 =	vld.idx.msk [tilespmem:v20+s13+$0x0], $0xffff;
	[tilespmem:s28+$0xD3F0] =	vst v9  }
0x1c4: {  	s29 =	sadd.s32 $0x400, s29;
	s30 =	sadd.s32 $0x40, s30;
	v2 =	vadd.s32 $0x9, v47;
	v1 =	vadd.s32 $0x9, v42;
	v4 =	vadd.s32 $0x9, v45;
	[tilespmem:s28+$0xC380] =	vst v23;
	v15 =	vld.idx.msk [tilespmem:v0+s13+$0x0], $0xffff  }
0x1c5: {  	_ =	sdelay $0x2  }
0x1c6: {  	[tilespmem:s28+$0xC390] =	vst v17  }
0x1c7: {  	v0 =	vld.idx.msk [tilespmem:v14+s13+$0x0], $0xffff;
	[tilespmem:s28+$0xC3D0] =	vst v5  }
0x1c8: {  	[tilespmem:s28+$0xC3A0] =	vst v19;
	v9 =	vld.idx.msk [tilespmem:v13+s13+$0x0], $0xffff  }
0x1c9: {  	v60 =	vld.idx.msk [tilespmem:v8+s13+$0x0], $0xffff;
	[tilespmem:s28+$0xC3B0] =	vst v18  }
0x1ca: {  	v12 =	vld.idx.msk [tilespmem:v12+s13+$0x0], $0xffff;
	[tilespmem:s28+$0xC3C0] =	vst v20  }
0x1cb: {  	v58 =	vld.idx.msk [tilespmem:v11+s13+$0x0], $0xffff;
	[tilespmem:s28+$0xC3E0] =	vst v15  }
0x1cc: {  	v59 =	vld.idx.msk [tilespmem:v51+s13+$0x0], $0xffff;
	[tilespmem:s28+$0xCB80] =	vst v0  }
0x1cd: {  	v61 =	vld.idx.msk [tilespmem:v10+s13+$0x0], $0xffff;
	[tilespmem:s28+$0xCB90] =	vst v9  }
0x1ce: {  	v7 =	vld.idx.msk [tilespmem:v7+s13+$0x0], $0xffff;
	[tilespmem:s28+$0xCBD0] =	vst v60  }
0x1cf: {  	[tilespmem:s28+$0xCBA0] =	vst v12;
	v6 =	vld.idx.msk [tilespmem:v6+s13+$0x0], $0xffff  }
0x1d0: {  	v1 =	vld.idx.msk [tilespmem:v1+s13+$0x0], $0xffff;
	[tilespmem:s28+$0xCBB0] =	vst v58  }
0x1d1: {  	v4 =	vld.idx.msk [tilespmem:v4+s13+$0x0], $0xffff;
	[tilespmem:s28+$0xCBC0] =	vst v59  }
0x1d2: {  	v2 =	vld.idx.msk [tilespmem:v2+s13+$0x0], $0xffff;
	[tilespmem:s28+$0xCBE0] =	vst v61  }
0x1d3: {  	v62 =	vld.idx.msk [tilespmem:v3+s13+$0x0], $0xffff;
	[tilespmem:s28+$0xD380] =	vst v7  }
0x1d4: {  	s25 =	sadd.s32 $0x1, s25;
	v63 =	vld.idx.msk [tilespmem:v24+s13+$0x0], $0xffff;
	[tilespmem:s28+$0xD390] =	vst v6  }
0x1d5: {  	p0 =	sne.s32 s25, $0x19;
	[tilespmem:s28+$0xD3D0] =	vst v1  }
.Ltmp2:
0x1d6: {  	[tilespmem:s28+$0xD3A0] =	vst v4;
	(pc) =	sbr.rel @p0 .LBB2_2-.Ltmp2, $4  }
0x1d7: {  	[tilespmem:s28+$0xD3B0] =	vst v2  }
0x1d8: {  	[tilespmem:s28+$0xD3C0] =	vst v62  }
0x1d9: {  	s0 =	sadd.s32 s4, s26;
	[tilespmem:s28+$0xD3E0] =	vst v63  }
0x1da: {  	[hbm4b:s0+s17] =	stream.strided.scatter [tilespmem:s21], [sflag:$0x4], $0x5000, s18, s17, $0x38;
	[tilespmem:$0xDB80] =	vst v63  }
0x1db: {  	s24 =	sadd.s32 $0x1, s24  }
0x1dc: {  	_ =	swait.ge [sflag:s22], $0x5000;
	p0 =	sne.s32 s24, s10  }
.Ltmp3:
0x1dd: {  	[sflag:s22] =	ssyncset.done $0x0;
	(pc) =	sbr.rel @p0 .LBB2_1-.Ltmp3, $4  }
0x1de: {  	[sflag:s22] =	ssyncadd.s32 $0xFFFFB000  }
0x1df: {  	_ =	swait.ge [sflag:s23], $0x5000  }
0x1e0: {  	[sflag:s23] =	ssyncset.done $0x0  }
0x1e1: {  	[sflag:s23] =	ssyncadd.s32 $0xFFFFB000  }
0x1e2: {  	_ =	sfence.sel $0x180000  }
0x1e3: {  	[bflag:$0x0] =	sbarrier.arrive $0xFFFF  }
0x1e4: {  	_ =	strace $0x90000047  }
0x1e5: {  	s0 =	stileid.u32;
	[bflag:$0x2] =	sbarrier.arrive $0xFFFF  }
0x1e6: {  	p0 =	sne.s32 s0, $0x0;
	s0 =	rddreg [dreg:$0x4]  }
0x1e7: {  	s0 =	sadd.s32 @!p0 $0x100000, s0  }
0x1e8: {  	[sflag:s0] =	ssyncadd.tile.s32 @!p0 $0x1;
	_ =	shalt  }
.Lfunc_end2:
_tile_overlayer_lowered:
.L_overlay_start_2:
0x1e9: {  	(tag) =	ssettag $0x2  }
0x1ea: {  	s0 =	rddreg [dreg:$0x0];
	s2 =	stileid.u32  }
0x1eb: {  	s1 =	rddreg [dreg:$0x1];
	p0 =	sne.s32 s2, $0x0  }
0x1ec: {  	s3 =	rddreg [dreg:$0x2];
	[bflag:$0x3] =	sbarrier.arrive $0xFFFF;
	s2 =	simm.s32 @!p0 $0x1C05  }
0x1ed: {  	[timem:s3], [sflag:s2] =	dma.local @!p0 [hbm:s0], s1  }
0x1ee: {  	s0 =	simm.s32 @!p0 $0x5  }
0x1ef: {  	_ =	swait.ge @!p0 [sflag:s0], s1  }
0x1f0: {  	s1 =	ssub.s32 @!p0 $0x0, s1;
	[sflag:s0] =	ssyncset.done @!p0 $0x0  }
0x1f1: {  	[sflag:s0] =	ssyncadd.s32 @!p0 s1  }
0x1f2: {  	[bflag:$0x3] =	sbarrier.arrive $0xFFFF  }
0x1f3: {  	_ =	shalt  }

</sc_bundles>
